<compile_context>
chip_gen: v7x
topology: tpu7x:2x2x1
jax: 0.10.2.dev20260603
libtpu: 0.0.44.dev20260713+nightly
codegen_flags: <defaults>
</compile_context>

<pallas_src>
import jax
import jax.numpy as jnp
from jax import lax
from jax.experimental import pallas as pl
from jax.experimental.pallas import tpu as pltpu
from jax.experimental.pallas import tpu_sc as plsc

NC, NS, L = 2, 16, 16
NW = NC * NS

A_ROWS, B_ROWS, D = 4096, 2048, 1024
A_PW = A_ROWS // NW
B_PW = B_ROWS // NW

R = 16
A_STEPS = A_PW // R
B_STEPS = B_PW // R
NSTEPS = A_STEPS + B_STEPS
NBUF = 7
UNROLL = 8


def _compute_chunk(buf):

    @pl.loop(0, R)
    def _(r):
        @plsc.parallel_loop(0, D, step=L, unroll=UNROLL)
        def _(c):
            sl = pl.ds(pl.multiple_of(c, L), L)
            buf[r, sl] = jnp.maximum(buf[r, sl] * 2.0 + 5.0, 0.0)


def _body(a_hbm, b_hbm, out_hbm, *scratch):
    bufs = scratch[:NBUF]
    isem = scratch[NBUF : 2 * NBUF]
    osem = scratch[2 * NBUF :]

    wid = lax.axis_index("s") * NC + lax.axis_index("c")
    a_base = pl.multiple_of(wid * A_PW, R)
    b_base = pl.multiple_of(wid * B_PW, R)

    def src_slice(t):
        if t < A_STEPS:
            return a_hbm.at[pl.ds(a_base + t * R, R)]
        tb = t - A_STEPS
        return b_hbm.at[pl.ds(b_base + tb * R, R)]

    def dst_slice(t):
        if t < A_STEPS:
            return out_hbm.at[pl.ds(a_base + t * R, R)]
        tb = t - A_STEPS
        return out_hbm.at[pl.ds(A_ROWS + b_base + tb * R, R)]

    for t in range(min(NBUF, NSTEPS)):
        pltpu.async_copy(src_slice(t), bufs[t % NBUF], isem[t % NBUF])

    for t in range(NSTEPS):
        s = t % NBUF
        pltpu.make_async_copy(src_slice(t), bufs[s], isem[s]).wait()
        _compute_chunk(bufs[s])
        pltpu.async_copy(bufs[s], dst_slice(t), osem[s])
        if t + NBUF < NSTEPS:
            pltpu.make_async_copy(bufs[s], dst_slice(t), osem[s]).wait()
            pltpu.async_copy(src_slice(t + NBUF), bufs[s], isem[s])

    for t in range(max(0, NSTEPS - NBUF), NSTEPS):
        s = t % NBUF
        pltpu.make_async_copy(bufs[s], dst_slice(t), osem[s]).wait()


def kernel(a, b):
    mesh = plsc.VectorSubcoreMesh(
        core_axis_name="c", subcore_axis_name="s", num_cores=NC, num_subcores=NS
    )
    out = pl.kernel(
        _body,
        out_type=jax.ShapeDtypeStruct((A_ROWS + B_ROWS, D), jnp.float32),
        mesh=mesh,
        compiler_params=pltpu.CompilerParams(
            disable_bounds_checks=True,
            disable_semaphore_checks=True,
            skip_device_barrier=True,
            use_tc_tiling_on_sc=True,
        ),
        scratch_types=(
            [pltpu.VMEM((R, D), jnp.float32)] * NBUF
            + [pltpu.SemaphoreType.DMA] * (2 * NBUF)
        ),
    )(a, b)
    return out

# --- scband reference (transcript-rebuilt; emitter-appended) ---
"""Pipeline reference for scband-my-model-61933428409994 (READ-ONLY COPY).

The authoritative reference and input builder live on the scoring server;
editing this copy changes nothing except your own understanding.
"""

import jax, jax.numpy as jnp
import numpy as np

def setup_inputs(seed: int = 0) -> dict:
    key = jax.random.key(seed)
    k1, k2 = jax.random.split(key)
    a = jax.random.normal(k1, (4096, 1024), dtype=jnp.float32)
    b = jax.random.normal(k2, (2048, 1024), dtype=jnp.float32)
    return {"a": a, "b": b}

def reference(a, b):
    # torch.nested.nested_tensor([a, b], layout=torch.jagged) stores the
    # values as a packed [sum_len, d] buffer; elementwise ops act on values.
    vals = jnp.concatenate([a, b], axis=0)
    vals = vals + 1.0
    vals = vals * 2.0
    vals = vals + 3.0
    vals = jax.nn.relu(vals)
    vals = jnp.abs(vals)
    # return the packed jagged values buffer (equivalent to nt.values())
    return vals

if __name__ == "__main__":
    import jax
    _d = setup_inputs()
    print(jax.jit(kernel)(*tuple(_d.values())))

</pallas_src>

<mosaic_0001>
#map = affine_map<(d0, d1) -> (0, 0)>
module attributes {stable_mosaic.version = 14 : i64} {
  func.func @_body(%arg0: i32, %arg1: i32, %arg2: memref<4096x1024xf32, #tpu.memory_space<hbm>>, %arg3: memref<2048x1024xf32, #tpu.memory_space<hbm>>, %arg4: memref<6144x1024xf32, #tpu.memory_space<hbm>>, %arg5: memref<16x1024xf32, #tpu.memory_space<vmem>>, %arg6: memref<16x1024xf32, #tpu.memory_space<vmem>>, %arg7: memref<16x1024xf32, #tpu.memory_space<vmem>>, %arg8: memref<16x1024xf32, #tpu.memory_space<vmem>>, %arg9: memref<16x1024xf32, #tpu.memory_space<vmem>>, %arg10: memref<16x1024xf32, #tpu.memory_space<vmem>>, %arg11: memref<16x1024xf32, #tpu.memory_space<vmem>>, %arg12: memref<!tpu.dma_semaphore, #tpu.memory_space<semaphore_mem>>, %arg13: memref<!tpu.dma_semaphore, #tpu.memory_space<semaphore_mem>>, %arg14: memref<!tpu.dma_semaphore, #tpu.memory_space<semaphore_mem>>, %arg15: memref<!tpu.dma_semaphore, #tpu.memory_space<semaphore_mem>>, %arg16: memref<!tpu.dma_semaphore, #tpu.memory_space<semaphore_mem>>, %arg17: memref<!tpu.dma_semaphore, #tpu.memory_space<semaphore_mem>>, %arg18: memref<!tpu.dma_semaphore, #tpu.memory_space<semaphore_mem>>, %arg19: memref<!tpu.dma_semaphore, #tpu.memory_space<semaphore_mem>>, %arg20: memref<!tpu.dma_semaphore, #tpu.memory_space<semaphore_mem>>, %arg21: memref<!tpu.dma_semaphore, #tpu.memory_space<semaphore_mem>>, %arg22: memref<!tpu.dma_semaphore, #tpu.memory_space<semaphore_mem>>, %arg23: memref<!tpu.dma_semaphore, #tpu.memory_space<semaphore_mem>>, %arg24: memref<!tpu.dma_semaphore, #tpu.memory_space<semaphore_mem>>, %arg25: memref<!tpu.dma_semaphore, #tpu.memory_space<semaphore_mem>>) attributes {dimension_semantics = [#tpu.dimension_semantics<core_parallel>, #tpu.dimension_semantics<subcore_parallel>], iteration_bounds = array<i64: 2, 16>, scalar_prefetch = 0 : i64, scratch_operands = 21 : i64, tpu.core_type = #tpu.core_type<sc_vector_subcore>, window_params = [{transform_indices = #map}, {transform_indices = #map}, {transform_indices = #map}]} {
    %mul3A = arith.constant 2 : i32
    %mul3A_0 = arith.muli %arg1, %mul3A : i32
    %add3A = arith.addi %mul3A_0, %arg0 : i32
    %mul3A_1 = arith.constant 128 : i32
    %mul3A_2 = arith.muli %add3A, %mul3A_1 : i32
    %multiple_of3A = tpu.assume_multiple %mul3A_2, 16 : i32
    %mul3A_3 = arith.constant 64 : i32
    %mul3A_4 = arith.muli %add3A, %mul3A_3 : i32
    %multiple_of3A_5 = tpu.assume_multiple %mul3A_4, 16 : i32
    %add3A_6 = arith.constant 0 : i32
    %add3A_7 = arith.addi %multiple_of3A, %add3A_6 : i32
    %dma_start3A = arith.constant 0 : i32
    %dma_start3A_8 = tpu.memref_slice %arg2[%add3A_7, %dma_start3A] : memref<4096x1024xf32, #tpu.memory_space<hbm>> -> memref<16x1024xf32, #tpu.memory_space<hbm>>
    %dma_start3A_9 = arith.constant 0 : i32
    %dma_start3A_10 = tpu.memref_slice %arg2[%add3A_7, %dma_start3A_9] : memref<4096x1024xf32, #tpu.memory_space<hbm>> -> memref<16x1024xf32, #tpu.memory_space<hbm>>
    tpu.enqueue_dma source(%dma_start3A_10 : memref<16x1024xf32, #tpu.memory_space<hbm>>) target(%arg5 : memref<16x1024xf32, #tpu.memory_space<vmem>>) target_semaphore(%arg12 : memref<!tpu.dma_semaphore, #tpu.memory_space<semaphore_mem>>)
    %add3A_11 = arith.constant 16 : i32
    %add3A_12 = arith.addi %multiple_of3A, %add3A_11 : i32
    %dma_start3A_13 = arith.constant 0 : i32
    %dma_start3A_14 = tpu.memref_slice %arg2[%add3A_12, %dma_start3A_13] : memref<4096x1024xf32, #tpu.memory_space<hbm>> -> memref<16x1024xf32, #tpu.memory_space<hbm>>
    %dma_start3A_15 = arith.constant 0 : i32
    %dma_start3A_16 = tpu.memref_slice %arg2[%add3A_12, %dma_start3A_15] : memref<4096x1024xf32, #tpu.memory_space<hbm>> -> memref<16x1024xf32, #tpu.memory_space<hbm>>
    tpu.enqueue_dma source(%dma_start3A_16 : memref<16x1024xf32, #tpu.memory_space<hbm>>) target(%arg6 : memref<16x1024xf32, #tpu.memory_space<vmem>>) target_semaphore(%arg13 : memref<!tpu.dma_semaphore, #tpu.memory_space<semaphore_mem>>)
    %add3A_17 = arith.constant 32 : i32
    %add3A_18 = arith.addi %multiple_of3A, %add3A_17 : i32
    %dma_start3A_19 = arith.constant 0 : i32
    %dma_start3A_20 = tpu.memref_slice %arg2[%add3A_18, %dma_start3A_19] : memref<4096x1024xf32, #tpu.memory_space<hbm>> -> memref<16x1024xf32, #tpu.memory_space<hbm>>
    %dma_start3A_21 = arith.constant 0 : i32
    %dma_start3A_22 = tpu.memref_slice %arg2[%add3A_18, %dma_start3A_21] : memref<4096x1024xf32, #tpu.memory_space<hbm>> -> memref<16x1024xf32, #tpu.memory_space<hbm>>
    tpu.enqueue_dma source(%dma_start3A_22 : memref<16x1024xf32, #tpu.memory_space<hbm>>) target(%arg7 : memref<16x1024xf32, #tpu.memory_space<vmem>>) target_semaphore(%arg14 : memref<!tpu.dma_semaphore, #tpu.memory_space<semaphore_mem>>)
    %add3A_23 = arith.constant 48 : i32
    %add3A_24 = arith.addi %multiple_of3A, %add3A_23 : i32
    %dma_start3A_25 = arith.constant 0 : i32
    %dma_start3A_26 = tpu.memref_slice %arg2[%add3A_24, %dma_start3A_25] : memref<4096x1024xf32, #tpu.memory_space<hbm>> -> memref<16x1024xf32, #tpu.memory_space<hbm>>
    %dma_start3A_27 = arith.constant 0 : i32
    %dma_start3A_28 = tpu.memref_slice %arg2[%add3A_24, %dma_start3A_27] : memref<4096x1024xf32, #tpu.memory_space<hbm>> -> memref<16x1024xf32, #tpu.memory_space<hbm>>
    tpu.enqueue_dma source(%dma_start3A_28 : memref<16x1024xf32, #tpu.memory_space<hbm>>) target(%arg8 : memref<16x1024xf32, #tpu.memory_space<vmem>>) target_semaphore(%arg15 : memref<!tpu.dma_semaphore, #tpu.memory_space<semaphore_mem>>)
    %add3A_29 = arith.constant 64 : i32
    %add3A_30 = arith.addi %multiple_of3A, %add3A_29 : i32
    %dma_start3A_31 = arith.constant 0 : i32
    %dma_start3A_32 = tpu.memref_slice %arg2[%add3A_30, %dma_start3A_31] : memref<4096x1024xf32, #tpu.memory_space<hbm>> -> memref<16x1024xf32, #tpu.memory_space<hbm>>
    %dma_start3A_33 = arith.constant 0 : i32
    %dma_start3A_34 = tpu.memref_slice %arg2[%add3A_30, %dma_start3A_33] : memref<4096x1024xf32, #tpu.memory_space<hbm>> -> memref<16x1024xf32, #tpu.memory_space<hbm>>
    tpu.enqueue_dma source(%dma_start3A_34 : memref<16x1024xf32, #tpu.memory_space<hbm>>) target(%arg9 : memref<16x1024xf32, #tpu.memory_space<vmem>>) target_semaphore(%arg16 : memref<!tpu.dma_semaphore, #tpu.memory_space<semaphore_mem>>)
    %add3A_35 = arith.constant 80 : i32
    %add3A_36 = arith.addi %multiple_of3A, %add3A_35 : i32
    %dma_start3A_37 = arith.constant 0 : i32
    %dma_start3A_38 = tpu.memref_slice %arg2[%add3A_36, %dma_start3A_37] : memref<4096x1024xf32, #tpu.memory_space<hbm>> -> memref<16x1024xf32, #tpu.memory_space<hbm>>
    %dma_start3A_39 = arith.constant 0 : i32
    %dma_start3A_40 = tpu.memref_slice %arg2[%add3A_36, %dma_start3A_39] : memref<4096x1024xf32, #tpu.memory_space<hbm>> -> memref<16x1024xf32, #tpu.memory_space<hbm>>
    tpu.enqueue_dma source(%dma_start3A_40 : memref<16x1024xf32, #tpu.memory_space<hbm>>) target(%arg10 : memref<16x1024xf32, #tpu.memory_space<vmem>>) target_semaphore(%arg17 : memref<!tpu.dma_semaphore, #tpu.memory_space<semaphore_mem>>)
    %add3A_41 = arith.constant 96 : i32
    %add3A_42 = arith.addi %multiple_of3A, %add3A_41 : i32
    %dma_start3A_43 = arith.constant 0 : i32
    %dma_start3A_44 = tpu.memref_slice %arg2[%add3A_42, %dma_start3A_43] : memref<4096x1024xf32, #tpu.memory_space<hbm>> -> memref<16x1024xf32, #tpu.memory_space<hbm>>
    %dma_start3A_45 = arith.constant 0 : i32
    %dma_start3A_46 = tpu.memref_slice %arg2[%add3A_42, %dma_start3A_45] : memref<4096x1024xf32, #tpu.memory_space<hbm>> -> memref<16x1024xf32, #tpu.memory_space<hbm>>
    tpu.enqueue_dma source(%dma_start3A_46 : memref<16x1024xf32, #tpu.memory_space<hbm>>) target(%arg11 : memref<16x1024xf32, #tpu.memory_space<vmem>>) target_semaphore(%arg18 : memref<!tpu.dma_semaphore, #tpu.memory_space<semaphore_mem>>)
    %add3A_47 = arith.constant 0 : i32
    %add3A_48 = arith.addi %multiple_of3A, %add3A_47 : i32
    %dma_wait3A = arith.constant 0 : i32
    %dma_wait3A_49 = tpu.memref_slice %arg2[%add3A_48, %dma_wait3A] : memref<4096x1024xf32, #tpu.memory_space<hbm>> -> memref<16x1024xf32, #tpu.memory_space<hbm>>
    %dma_wait3A_50 = arith.constant 0 : i32
    %dma_wait3A_51 = tpu.memref_slice %arg2[%add3A_48, %dma_wait3A_50] : memref<4096x1024xf32, #tpu.memory_space<hbm>> -> memref<16x1024xf32, #tpu.memory_space<hbm>>
    tpu.wait_dma2 semaphore(%arg12 : memref<!tpu.dma_semaphore, #tpu.memory_space<semaphore_mem>>) src(%dma_wait3A_51 : memref<16x1024xf32, #tpu.memory_space<hbm>>) dst(%arg5 : memref<16x1024xf32, #tpu.memory_space<vmem>>)
    %scan3A = arith.constant 0 : i32
    %scan3A_52 = arith.constant 16 : i32
    %scan3A_53 = arith.addi %scan3A, %scan3A_52 : i32
    %scan3A_54 = arith.constant 1 : i32
    scf.for %scan3A_367 = %scan3A to %scan3A_53 step %scan3A_54  : i32 {
      %mul3A_368 = arith.constant 1 : i32
      %mul3A_369 = arith.muli %scan3A_367, %mul3A_368 : i32
      %add3A_370 = arith.constant 0 : i32
      %add3A_371 = arith.addi %add3A_370, %mul3A_369 : i32
      %parallel_loop3A = arith.constant 0 : i32
      %parallel_loop3A_372 = arith.constant 1024 : i32
      %parallel_loop3A_373 = arith.constant 16 : i32
      scf.for %parallel_loop3A_374 = %parallel_loop3A to %parallel_loop3A_372 step %parallel_loop3A_373  : i32 {
        %parallel_loop3A_375 = tpu.assume_multiple %parallel_loop3A_374, 16 : i32
        %parallel_loop3A_376 = arith.index_cast %add3A_371 : i32 to index
        %parallel_loop3A_377 = arith.index_cast %parallel_loop3A_375 : i32 to index
        %parallel_loop3A_378 = tpu.vector_load %arg5[%parallel_loop3A_376, %parallel_loop3A_377] {strides = array<i32>} : memref<16x1024xf32, #tpu.memory_space<vmem>>, vector<1x16xf32>,
        %parallel_loop3A_379 = vector.shape_cast %parallel_loop3A_378 : vector<1x16xf32> to vector<16xf32>
        %parallel_loop3A_380 = arith.constant 2.000000e+00 : f32
        %parallel_loop3A_381 = vector.broadcast %parallel_loop3A_380 : f32 to vector<16xf32>
        %parallel_loop3A_382 = arith.mulf %parallel_loop3A_379, %parallel_loop3A_381 : vector<16xf32>
        %parallel_loop3A_383 = arith.constant 5.000000e+00 : f32
        %parallel_loop3A_384 = vector.broadcast %parallel_loop3A_383 : f32 to vector<16xf32>
        %parallel_loop3A_385 = arith.addf %parallel_loop3A_382, %parallel_loop3A_384 : vector<16xf32>
        %parallel_loop3A_386 = arith.constant 0.000000e+00 : f32
        %parallel_loop3A_387 = vector.broadcast %parallel_loop3A_386 : f32 to vector<16xf32>
        %parallel_loop3A_388 = arith.maximumf %parallel_loop3A_385, %parallel_loop3A_387 : vector<16xf32>
        %parallel_loop3A_389 = arith.index_cast %add3A_371 : i32 to index
        %parallel_loop3A_390 = arith.index_cast %parallel_loop3A_375 : i32 to index
        %parallel_loop3A_391 = tpu.vector_load %arg5[%parallel_loop3A_389, %parallel_loop3A_390] {strides = array<i32>} : memref<16x1024xf32, #tpu.memory_space<vmem>>, vector<1x16xf32>,
        %parallel_loop3A_392 = vector.shape_cast %parallel_loop3A_391 : vector<1x16xf32> to vector<16xf32>
        %parallel_loop3A_393 = vector.shape_cast %parallel_loop3A_388 : vector<16xf32> to vector<1x16xf32>
        tpu.vector_store %arg5[%parallel_loop3A_389, %parallel_loop3A_390], %parallel_loop3A_393 {strides = array<i32>} : memref<16x1024xf32, #tpu.memory_space<vmem>>, vector<1x16xf32>,
      } {sc.loop_unroll_factor = 8 : i64, sc.parallel_access}
    }
    %scan3A_55 = arith.constant 16 : i32
    %add3A_56 = arith.constant 0 : i32
    %add3A_57 = arith.addi %multiple_of3A, %add3A_56 : i32
    %dma_start3A_58 = arith.constant 0 : i32
    %dma_start3A_59 = tpu.memref_slice %arg4[%add3A_57, %dma_start3A_58] : memref<6144x1024xf32, #tpu.memory_space<hbm>> -> memref<16x1024xf32, #tpu.memory_space<hbm>>
    %dma_start3A_60 = arith.constant 0 : i32
    %dma_start3A_61 = tpu.memref_slice %arg4[%add3A_57, %dma_start3A_60] : memref<6144x1024xf32, #tpu.memory_space<hbm>> -> memref<16x1024xf32, #tpu.memory_space<hbm>>
    tpu.enqueue_dma source(%arg5 : memref<16x1024xf32, #tpu.memory_space<vmem>>) target(%dma_start3A_61 : memref<16x1024xf32, #tpu.memory_space<hbm>>) target_semaphore(%arg19 : memref<!tpu.dma_semaphore, #tpu.memory_space<semaphore_mem>>)
    %add3A_62 = arith.constant 0 : i32
    %add3A_63 = arith.addi %multiple_of3A, %add3A_62 : i32
    %dma_wait3A_64 = arith.constant 0 : i32
    %dma_wait3A_65 = tpu.memref_slice %arg4[%add3A_63, %dma_wait3A_64] : memref<6144x1024xf32, #tpu.memory_space<hbm>> -> memref<16x1024xf32, #tpu.memory_space<hbm>>
    %dma_wait3A_66 = arith.constant 0 : i32
    %dma_wait3A_67 = tpu.memref_slice %arg4[%add3A_63, %dma_wait3A_66] : memref<6144x1024xf32, #tpu.memory_space<hbm>> -> memref<16x1024xf32, #tpu.memory_space<hbm>>
    tpu.wait_dma2 semaphore(%arg19 : memref<!tpu.dma_semaphore, #tpu.memory_space<semaphore_mem>>) src(%arg5 : memref<16x1024xf32, #tpu.memory_space<vmem>>) dst(%dma_wait3A_67 : memref<16x1024xf32, #tpu.memory_space<hbm>>)
    %add3A_68 = arith.constant 112 : i32
    %add3A_69 = arith.addi %multiple_of3A, %add3A_68 : i32
    %dma_start3A_70 = arith.constant 0 : i32
    %dma_start3A_71 = tpu.memref_slice %arg2[%add3A_69, %dma_start3A_70] : memref<4096x1024xf32, #tpu.memory_space<hbm>> -> memref<16x1024xf32, #tpu.memory_space<hbm>>
    %dma_start3A_72 = arith.constant 0 : i32
    %dma_start3A_73 = tpu.memref_slice %arg2[%add3A_69, %dma_start3A_72] : memref<4096x1024xf32, #tpu.memory_space<hbm>> -> memref<16x1024xf32, #tpu.memory_space<hbm>>
    tpu.enqueue_dma source(%dma_start3A_73 : memref<16x1024xf32, #tpu.memory_space<hbm>>) target(%arg5 : memref<16x1024xf32, #tpu.memory_space<vmem>>) target_semaphore(%arg12 : memref<!tpu.dma_semaphore, #tpu.memory_space<semaphore_mem>>)
    %add3A_74 = arith.constant 16 : i32
    %add3A_75 = arith.addi %multiple_of3A, %add3A_74 : i32
    %dma_wait3A_76 = arith.constant 0 : i32
    %dma_wait3A_77 = tpu.memref_slice %arg2[%add3A_75, %dma_wait3A_76] : memref<4096x1024xf32, #tpu.memory_space<hbm>> -> memref<16x1024xf32, #tpu.memory_space<hbm>>
    %dma_wait3A_78 = arith.constant 0 : i32
    %dma_wait3A_79 = tpu.memref_slice %arg2[%add3A_75, %dma_wait3A_78] : memref<4096x1024xf32, #tpu.memory_space<hbm>> -> memref<16x1024xf32, #tpu.memory_space<hbm>>
    tpu.wait_dma2 semaphore(%arg13 : memref<!tpu.dma_semaphore, #tpu.memory_space<semaphore_mem>>) src(%dma_wait3A_79 : memref<16x1024xf32, #tpu.memory_space<hbm>>) dst(%arg6 : memref<16x1024xf32, #tpu.memory_space<vmem>>)
    %scan3A_80 = arith.constant 0 : i32
    %scan3A_81 = arith.constant 16 : i32
    %scan3A_82 = arith.addi %scan3A_80, %scan3A_81 : i32
    %scan3A_83 = arith.constant 1 : i32
    scf.for %scan3A_367 = %scan3A_80 to %scan3A_82 step %scan3A_83  : i32 {
      %mul3A_368 = arith.constant 1 : i32
      %mul3A_369 = arith.muli %scan3A_367, %mul3A_368 : i32
      %add3A_370 = arith.constant 0 : i32
      %add3A_371 = arith.addi %add3A_370, %mul3A_369 : i32
      %parallel_loop3A = arith.constant 0 : i32
      %parallel_loop3A_372 = arith.constant 1024 : i32
      %parallel_loop3A_373 = arith.constant 16 : i32
      scf.for %parallel_loop3A_374 = %parallel_loop3A to %parallel_loop3A_372 step %parallel_loop3A_373  : i32 {
        %parallel_loop3A_375 = tpu.assume_multiple %parallel_loop3A_374, 16 : i32
        %parallel_loop3A_376 = arith.index_cast %add3A_371 : i32 to index
        %parallel_loop3A_377 = arith.index_cast %parallel_loop3A_375 : i32 to index
        %parallel_loop3A_378 = tpu.vector_load %arg6[%parallel_loop3A_376, %parallel_loop3A_377] {strides = array<i32>} : memref<16x1024xf32, #tpu.memory_space<vmem>>, vector<1x16xf32>,
        %parallel_loop3A_379 = vector.shape_cast %parallel_loop3A_378 : vector<1x16xf32> to vector<16xf32>
        %parallel_loop3A_380 = arith.constant 2.000000e+00 : f32
        %parallel_loop3A_381 = vector.broadcast %parallel_loop3A_380 : f32 to vector<16xf32>
        %parallel_loop3A_382 = arith.mulf %parallel_loop3A_379, %parallel_loop3A_381 : vector<16xf32>
        %parallel_loop3A_383 = arith.constant 5.000000e+00 : f32
        %parallel_loop3A_384 = vector.broadcast %parallel_loop3A_383 : f32 to vector<16xf32>
        %parallel_loop3A_385 = arith.addf %parallel_loop3A_382, %parallel_loop3A_384 : vector<16xf32>
        %parallel_loop3A_386 = arith.constant 0.000000e+00 : f32
        %parallel_loop3A_387 = vector.broadcast %parallel_loop3A_386 : f32 to vector<16xf32>
        %parallel_loop3A_388 = arith.maximumf %parallel_loop3A_385, %parallel_loop3A_387 : vector<16xf32>
        %parallel_loop3A_389 = arith.index_cast %add3A_371 : i32 to index
        %parallel_loop3A_390 = arith.index_cast %parallel_loop3A_375 : i32 to index
        %parallel_loop3A_391 = tpu.vector_load %arg6[%parallel_loop3A_389, %parallel_loop3A_390] {strides = array<i32>} : memref<16x1024xf32, #tpu.memory_space<vmem>>, vector<1x16xf32>,
        %parallel_loop3A_392 = vector.shape_cast %parallel_loop3A_391 : vector<1x16xf32> to vector<16xf32>
        %parallel_loop3A_393 = vector.shape_cast %parallel_loop3A_388 : vector<16xf32> to vector<1x16xf32>
        tpu.vector_store %arg6[%parallel_loop3A_389, %parallel_loop3A_390], %parallel_loop3A_393 {strides = array<i32>} : memref<16x1024xf32, #tpu.memory_space<vmem>>, vector<1x16xf32>,
      } {sc.loop_unroll_factor = 8 : i64, sc.parallel_access}
    }
    %scan3A_84 = arith.constant 16 : i32
    %add3A_85 = arith.constant 16 : i32
    %add3A_86 = arith.addi %multiple_of3A, %add3A_85 : i32
    %dma_start3A_87 = arith.constant 0 : i32
    %dma_start3A_88 = tpu.memref_slice %arg4[%add3A_86, %dma_start3A_87] : memref<6144x1024xf32, #tpu.memory_space<hbm>> -> memref<16x1024xf32, #tpu.memory_space<hbm>>
    %dma_start3A_89 = arith.constant 0 : i32
    %dma_start3A_90 = tpu.memref_slice %arg4[%add3A_86, %dma_start3A_89] : memref<6144x1024xf32, #tpu.memory_space<hbm>> -> memref<16x1024xf32, #tpu.memory_space<hbm>>
    tpu.enqueue_dma source(%arg6 : memref<16x1024xf32, #tpu.memory_space<vmem>>) target(%dma_start3A_90 : memref<16x1024xf32, #tpu.memory_space<hbm>>) target_semaphore(%arg20 : memref<!tpu.dma_semaphore, #tpu.memory_space<semaphore_mem>>)
    %add3A_91 = arith.constant 16 : i32
    %add3A_92 = arith.addi %multiple_of3A, %add3A_91 : i32
    %dma_wait3A_93 = arith.constant 0 : i32
    %dma_wait3A_94 = tpu.memref_slice %arg4[%add3A_92, %dma_wait3A_93] : memref<6144x1024xf32, #tpu.memory_space<hbm>> -> memref<16x1024xf32, #tpu.memory_space<hbm>>
    %dma_wait3A_95 = arith.constant 0 : i32
    %dma_wait3A_96 = tpu.memref_slice %arg4[%add3A_92, %dma_wait3A_95] : memref<6144x1024xf32, #tpu.memory_space<hbm>> -> memref<16x1024xf32, #tpu.memory_space<hbm>>
    tpu.wait_dma2 semaphore(%arg20 : memref<!tpu.dma_semaphore, #tpu.memory_space<semaphore_mem>>) src(%arg6 : memref<16x1024xf32, #tpu.memory_space<vmem>>) dst(%dma_wait3A_96 : memref<16x1024xf32, #tpu.memory_space<hbm>>)
    %add3A_97 = arith.constant 0 : i32
    %add3A_98 = arith.addi %multiple_of3A_5, %add3A_97 : i32
    %dma_start3A_99 = arith.constant 0 : i32
    %dma_start3A_100 = tpu.memref_slice %arg3[%add3A_98, %dma_start3A_99] : memref<2048x1024xf32, #tpu.memory_space<hbm>> -> memref<16x1024xf32, #tpu.memory_space<hbm>>
    %dma_start3A_101 = arith.constant 0 : i32
    %dma_start3A_102 = tpu.memref_slice %arg3[%add3A_98, %dma_start3A_101] : memref<2048x1024xf32, #tpu.memory_space<hbm>> -> memref<16x1024xf32, #tpu.memory_space<hbm>>
    tpu.enqueue_dma source(%dma_start3A_102 : memref<16x1024xf32, #tpu.memory_space<hbm>>) target(%arg6 : memref<16x1024xf32, #tpu.memory_space<vmem>>) target_semaphore(%arg13 : memref<!tpu.dma_semaphore, #tpu.memory_space<semaphore_mem>>)
    %add3A_103 = arith.constant 32 : i32
    %add3A_104 = arith.addi %multiple_of3A, %add3A_103 : i32
    %dma_wait3A_105 = arith.constant 0 : i32
    %dma_wait3A_106 = tpu.memref_slice %arg2[%add3A_104, %dma_wait3A_105] : memref<4096x1024xf32, #tpu.memory_space<hbm>> -> memref<16x1024xf32, #tpu.memory_space<hbm>>
    %dma_wait3A_107 = arith.constant 0 : i32
    %dma_wait3A_108 = tpu.memref_slice %arg2[%add3A_104, %dma_wait3A_107] : memref<4096x1024xf32, #tpu.memory_space<hbm>> -> memref<16x1024xf32, #tpu.memory_space<hbm>>
    tpu.wait_dma2 semaphore(%arg14 : memref<!tpu.dma_semaphore, #tpu.memory_space<semaphore_mem>>) src(%dma_wait3A_108 : memref<16x1024xf32, #tpu.memory_space<hbm>>) dst(%arg7 : memref<16x1024xf32, #tpu.memory_space<vmem>>)
    %scan3A_109 = arith.constant 0 : i32
    %scan3A_110 = arith.constant 16 : i32
    %scan3A_111 = arith.addi %scan3A_109, %scan3A_110 : i32
    %scan3A_112 = arith.constant 1 : i32
    scf.for %scan3A_367 = %scan3A_109 to %scan3A_111 step %scan3A_112  : i32 {
      %mul3A_368 = arith.constant 1 : i32
      %mul3A_369 = arith.muli %scan3A_367, %mul3A_368 : i32
      %add3A_370 = arith.constant 0 : i32
      %add3A_371 = arith.addi %add3A_370, %mul3A_369 : i32
      %parallel_loop3A = arith.constant 0 : i32
      %parallel_loop3A_372 = arith.constant 1024 : i32
      %parallel_loop3A_373 = arith.constant 16 : i32
      scf.for %parallel_loop3A_374 = %parallel_loop3A to %parallel_loop3A_372 step %parallel_loop3A_373  : i32 {
        %parallel_loop3A_375 = tpu.assume_multiple %parallel_loop3A_374, 16 : i32
        %parallel_loop3A_376 = arith.index_cast %add3A_371 : i32 to index
        %parallel_loop3A_377 = arith.index_cast %parallel_loop3A_375 : i32 to index
        %parallel_loop3A_378 = tpu.vector_load %arg7[%parallel_loop3A_376, %parallel_loop3A_377] {strides = array<i32>} : memref<16x1024xf32, #tpu.memory_space<vmem>>, vector<1x16xf32>,
        %parallel_loop3A_379 = vector.shape_cast %parallel_loop3A_378 : vector<1x16xf32> to vector<16xf32>
        %parallel_loop3A_380 = arith.constant 2.000000e+00 : f32
        %parallel_loop3A_381 = vector.broadcast %parallel_loop3A_380 : f32 to vector<16xf32>
        %parallel_loop3A_382 = arith.mulf %parallel_loop3A_379, %parallel_loop3A_381 : vector<16xf32>
        %parallel_loop3A_383 = arith.constant 5.000000e+00 : f32
        %parallel_loop3A_384 = vector.broadcast %parallel_loop3A_383 : f32 to vector<16xf32>
        %parallel_loop3A_385 = arith.addf %parallel_loop3A_382, %parallel_loop3A_384 : vector<16xf32>
        %parallel_loop3A_386 = arith.constant 0.000000e+00 : f32
        %parallel_loop3A_387 = vector.broadcast %parallel_loop3A_386 : f32 to vector<16xf32>
        %parallel_loop3A_388 = arith.maximumf %parallel_loop3A_385, %parallel_loop3A_387 : vector<16xf32>
        %parallel_loop3A_389 = arith.index_cast %add3A_371 : i32 to index
        %parallel_loop3A_390 = arith.index_cast %parallel_loop3A_375 : i32 to index
        %parallel_loop3A_391 = tpu.vector_load %arg7[%parallel_loop3A_389, %parallel_loop3A_390] {strides = array<i32>} : memref<16x1024xf32, #tpu.memory_space<vmem>>, vector<1x16xf32>,
        %parallel_loop3A_392 = vector.shape_cast %parallel_loop3A_391 : vector<1x16xf32> to vector<16xf32>
        %parallel_loop3A_393 = vector.shape_cast %parallel_loop3A_388 : vector<16xf32> to vector<1x16xf32>
        tpu.vector_store %arg7[%parallel_loop3A_389, %parallel_loop3A_390], %parallel_loop3A_393 {strides = array<i32>} : memref<16x1024xf32, #tpu.memory_space<vmem>>, vector<1x16xf32>,
      } {sc.loop_unroll_factor = 8 : i64, sc.parallel_access}
    }
    %scan3A_113 = arith.constant 16 : i32
    %add3A_114 = arith.constant 32 : i32
    %add3A_115 = arith.addi %multiple_of3A, %add3A_114 : i32
    %dma_start3A_116 = arith.constant 0 : i32
    %dma_start3A_117 = tpu.memref_slice %arg4[%add3A_115, %dma_start3A_116] : memref<6144x1024xf32, #tpu.memory_space<hbm>> -> memref<16x1024xf32, #tpu.memory_space<hbm>>
    %dma_start3A_118 = arith.constant 0 : i32
    %dma_start3A_119 = tpu.memref_slice %arg4[%add3A_115, %dma_start3A_118] : memref<6144x1024xf32, #tpu.memory_space<hbm>> -> memref<16x1024xf32, #tpu.memory_space<hbm>>
    tpu.enqueue_dma source(%arg7 : memref<16x1024xf32, #tpu.memory_space<vmem>>) target(%dma_start3A_119 : memref<16x1024xf32, #tpu.memory_space<hbm>>) target_semaphore(%arg21 : memref<!tpu.dma_semaphore, #tpu.memory_space<semaphore_mem>>)
    %add3A_120 = arith.constant 32 : i32
    %add3A_121 = arith.addi %multiple_of3A, %add3A_120 : i32
    %dma_wait3A_122 = arith.constant 0 : i32
    %dma_wait3A_123 = tpu.memref_slice %arg4[%add3A_121, %dma_wait3A_122] : memref<6144x1024xf32, #tpu.memory_space<hbm>> -> memref<16x1024xf32, #tpu.memory_space<hbm>>
    %dma_wait3A_124 = arith.constant 0 : i32
    %dma_wait3A_125 = tpu.memref_slice %arg4[%add3A_121, %dma_wait3A_124] : memref<6144x1024xf32, #tpu.memory_space<hbm>> -> memref<16x1024xf32, #tpu.memory_space<hbm>>
    tpu.wait_dma2 semaphore(%arg21 : memref<!tpu.dma_semaphore, #tpu.memory_space<semaphore_mem>>) src(%arg7 : memref<16x1024xf32, #tpu.memory_space<vmem>>) dst(%dma_wait3A_125 : memref<16x1024xf32, #tpu.memory_space<hbm>>)
    %add3A_126 = arith.constant 16 : i32
    %add3A_127 = arith.addi %multiple_of3A_5, %add3A_126 : i32
    %dma_start3A_128 = arith.constant 0 : i32
    %dma_start3A_129 = tpu.memref_slice %arg3[%add3A_127, %dma_start3A_128] : memref<2048x1024xf32, #tpu.memory_space<hbm>> -> memref<16x1024xf32, #tpu.memory_space<hbm>>
    %dma_start3A_130 = arith.constant 0 : i32
    %dma_start3A_131 = tpu.memref_slice %arg3[%add3A_127, %dma_start3A_130] : memref<2048x1024xf32, #tpu.memory_space<hbm>> -> memref<16x1024xf32, #tpu.memory_space<hbm>>
    tpu.enqueue_dma source(%dma_start3A_131 : memref<16x1024xf32, #tpu.memory_space<hbm>>) target(%arg7 : memref<16x1024xf32, #tpu.memory_space<vmem>>) target_semaphore(%arg14 : memref<!tpu.dma_semaphore, #tpu.memory_space<semaphore_mem>>)
    %add3A_132 = arith.constant 48 : i32
    %add3A_133 = arith.addi %multiple_of3A, %add3A_132 : i32
    %dma_wait3A_134 = arith.constant 0 : i32
    %dma_wait3A_135 = tpu.memref_slice %arg2[%add3A_133, %dma_wait3A_134] : memref<4096x1024xf32, #tpu.memory_space<hbm>> -> memref<16x1024xf32, #tpu.memory_space<hbm>>
    %dma_wait3A_136 = arith.constant 0 : i32
    %dma_wait3A_137 = tpu.memref_slice %arg2[%add3A_133, %dma_wait3A_136] : memref<4096x1024xf32, #tpu.memory_space<hbm>> -> memref<16x1024xf32, #tpu.memory_space<hbm>>
    tpu.wait_dma2 semaphore(%arg15 : memref<!tpu.dma_semaphore, #tpu.memory_space<semaphore_mem>>) src(%dma_wait3A_137 : memref<16x1024xf32, #tpu.memory_space<hbm>>) dst(%arg8 : memref<16x1024xf32, #tpu.memory_space<vmem>>)
    %scan3A_138 = arith.constant 0 : i32
    %scan3A_139 = arith.constant 16 : i32
    %scan3A_140 = arith.addi %scan3A_138, %scan3A_139 : i32
    %scan3A_141 = arith.constant 1 : i32
    scf.for %scan3A_367 = %scan3A_138 to %scan3A_140 step %scan3A_141  : i32 {
      %mul3A_368 = arith.constant 1 : i32
      %mul3A_369 = arith.muli %scan3A_367, %mul3A_368 : i32
      %add3A_370 = arith.constant 0 : i32
      %add3A_371 = arith.addi %add3A_370, %mul3A_369 : i32
      %parallel_loop3A = arith.constant 0 : i32
      %parallel_loop3A_372 = arith.constant 1024 : i32
      %parallel_loop3A_373 = arith.constant 16 : i32
      scf.for %parallel_loop3A_374 = %parallel_loop3A to %parallel_loop3A_372 step %parallel_loop3A_373  : i32 {
        %parallel_loop3A_375 = tpu.assume_multiple %parallel_loop3A_374, 16 : i32
        %parallel_loop3A_376 = arith.index_cast %add3A_371 : i32 to index
        %parallel_loop3A_377 = arith.index_cast %parallel_loop3A_375 : i32 to index
        %parallel_loop3A_378 = tpu.vector_load %arg8[%parallel_loop3A_376, %parallel_loop3A_377] {strides = array<i32>} : memref<16x1024xf32, #tpu.memory_space<vmem>>, vector<1x16xf32>,
        %parallel_loop3A_379 = vector.shape_cast %parallel_loop3A_378 : vector<1x16xf32> to vector<16xf32>
        %parallel_loop3A_380 = arith.constant 2.000000e+00 : f32
        %parallel_loop3A_381 = vector.broadcast %parallel_loop3A_380 : f32 to vector<16xf32>
        %parallel_loop3A_382 = arith.mulf %parallel_loop3A_379, %parallel_loop3A_381 : vector<16xf32>
        %parallel_loop3A_383 = arith.constant 5.000000e+00 : f32
        %parallel_loop3A_384 = vector.broadcast %parallel_loop3A_383 : f32 to vector<16xf32>
        %parallel_loop3A_385 = arith.addf %parallel_loop3A_382, %parallel_loop3A_384 : vector<16xf32>
        %parallel_loop3A_386 = arith.constant 0.000000e+00 : f32
        %parallel_loop3A_387 = vector.broadcast %parallel_loop3A_386 : f32 to vector<16xf32>
        %parallel_loop3A_388 = arith.maximumf %parallel_loop3A_385, %parallel_loop3A_387 : vector<16xf32>
        %parallel_loop3A_389 = arith.index_cast %add3A_371 : i32 to index
        %parallel_loop3A_390 = arith.index_cast %parallel_loop3A_375 : i32 to index
        %parallel_loop3A_391 = tpu.vector_load %arg8[%parallel_loop3A_389, %parallel_loop3A_390] {strides = array<i32>} : memref<16x1024xf32, #tpu.memory_space<vmem>>, vector<1x16xf32>,
        %parallel_loop3A_392 = vector.shape_cast %parallel_loop3A_391 : vector<1x16xf32> to vector<16xf32>
        %parallel_loop3A_393 = vector.shape_cast %parallel_loop3A_388 : vector<16xf32> to vector<1x16xf32>
        tpu.vector_store %arg8[%parallel_loop3A_389, %parallel_loop3A_390], %parallel_loop3A_393 {strides = array<i32>} : memref<16x1024xf32, #tpu.memory_space<vmem>>, vector<1x16xf32>,
      } {sc.loop_unroll_factor = 8 : i64, sc.parallel_access}
    }
    %scan3A_142 = arith.constant 16 : i32
    %add3A_143 = arith.constant 48 : i32
    %add3A_144 = arith.addi %multiple_of3A, %add3A_143 : i32
    %dma_start3A_145 = arith.constant 0 : i32
    %dma_start3A_146 = tpu.memref_slice %arg4[%add3A_144, %dma_start3A_145] : memref<6144x1024xf32, #tpu.memory_space<hbm>> -> memref<16x1024xf32, #tpu.memory_space<hbm>>
    %dma_start3A_147 = arith.constant 0 : i32
    %dma_start3A_148 = tpu.memref_slice %arg4[%add3A_144, %dma_start3A_147] : memref<6144x1024xf32, #tpu.memory_space<hbm>> -> memref<16x1024xf32, #tpu.memory_space<hbm>>
    tpu.enqueue_dma source(%arg8 : memref<16x1024xf32, #tpu.memory_space<vmem>>) target(%dma_start3A_148 : memref<16x1024xf32, #tpu.memory_space<hbm>>) target_semaphore(%arg22 : memref<!tpu.dma_semaphore, #tpu.memory_space<semaphore_mem>>)
    %add3A_149 = arith.constant 48 : i32
    %add3A_150 = arith.addi %multiple_of3A, %add3A_149 : i32
    %dma_wait3A_151 = arith.constant 0 : i32
    %dma_wait3A_152 = tpu.memref_slice %arg4[%add3A_150, %dma_wait3A_151] : memref<6144x1024xf32, #tpu.memory_space<hbm>> -> memref<16x1024xf32, #tpu.memory_space<hbm>>
    %dma_wait3A_153 = arith.constant 0 : i32
    %dma_wait3A_154 = tpu.memref_slice %arg4[%add3A_150, %dma_wait3A_153] : memref<6144x1024xf32, #tpu.memory_space<hbm>> -> memref<16x1024xf32, #tpu.memory_space<hbm>>
    tpu.wait_dma2 semaphore(%arg22 : memref<!tpu.dma_semaphore, #tpu.memory_space<semaphore_mem>>) src(%arg8 : memref<16x1024xf32, #tpu.memory_space<vmem>>) dst(%dma_wait3A_154 : memref<16x1024xf32, #tpu.memory_space<hbm>>)
    %add3A_155 = arith.constant 32 : i32
    %add3A_156 = arith.addi %multiple_of3A_5, %add3A_155 : i32
    %dma_start3A_157 = arith.constant 0 : i32
    %dma_start3A_158 = tpu.memref_slice %arg3[%add3A_156, %dma_start3A_157] : memref<2048x1024xf32, #tpu.memory_space<hbm>> -> memref<16x1024xf32, #tpu.memory_space<hbm>>
    %dma_start3A_159 = arith.constant 0 : i32
    %dma_start3A_160 = tpu.memref_slice %arg3[%add3A_156, %dma_start3A_159] : memref<2048x1024xf32, #tpu.memory_space<hbm>> -> memref<16x1024xf32, #tpu.memory_space<hbm>>
    tpu.enqueue_dma source(%dma_start3A_160 : memref<16x1024xf32, #tpu.memory_space<hbm>>) target(%arg8 : memref<16x1024xf32, #tpu.memory_space<vmem>>) target_semaphore(%arg15 : memref<!tpu.dma_semaphore, #tpu.memory_space<semaphore_mem>>)
    %add3A_161 = arith.constant 64 : i32
    %add3A_162 = arith.addi %multiple_of3A, %add3A_161 : i32
    %dma_wait3A_163 = arith.constant 0 : i32
    %dma_wait3A_164 = tpu.memref_slice %arg2[%add3A_162, %dma_wait3A_163] : memref<4096x1024xf32, #tpu.memory_space<hbm>> -> memref<16x1024xf32, #tpu.memory_space<hbm>>
    %dma_wait3A_165 = arith.constant 0 : i32
    %dma_wait3A_166 = tpu.memref_slice %arg2[%add3A_162, %dma_wait3A_165] : memref<4096x1024xf32, #tpu.memory_space<hbm>> -> memref<16x1024xf32, #tpu.memory_space<hbm>>
    tpu.wait_dma2 semaphore(%arg16 : memref<!tpu.dma_semaphore, #tpu.memory_space<semaphore_mem>>) src(%dma_wait3A_166 : memref<16x1024xf32, #tpu.memory_space<hbm>>) dst(%arg9 : memref<16x1024xf32, #tpu.memory_space<vmem>>)
    %scan3A_167 = arith.constant 0 : i32
    %scan3A_168 = arith.constant 16 : i32
    %scan3A_169 = arith.addi %scan3A_167, %scan3A_168 : i32
    %scan3A_170 = arith.constant 1 : i32
    scf.for %scan3A_367 = %scan3A_167 to %scan3A_169 step %scan3A_170  : i32 {
      %mul3A_368 = arith.constant 1 : i32
      %mul3A_369 = arith.muli %scan3A_367, %mul3A_368 : i32
      %add3A_370 = arith.constant 0 : i32
      %add3A_371 = arith.addi %add3A_370, %mul3A_369 : i32
      %parallel_loop3A = arith.constant 0 : i32
      %parallel_loop3A_372 = arith.constant 1024 : i32
      %parallel_loop3A_373 = arith.constant 16 : i32
      scf.for %parallel_loop3A_374 = %parallel_loop3A to %parallel_loop3A_372 step %parallel_loop3A_373  : i32 {
        %parallel_loop3A_375 = tpu.assume_multiple %parallel_loop3A_374, 16 : i32
        %parallel_loop3A_376 = arith.index_cast %add3A_371 : i32 to index
        %parallel_loop3A_377 = arith.index_cast %parallel_loop3A_375 : i32 to index
        %parallel_loop3A_378 = tpu.vector_load %arg9[%parallel_loop3A_376, %parallel_loop3A_377] {strides = array<i32>} : memref<16x1024xf32, #tpu.memory_space<vmem>>, vector<1x16xf32>,
        %parallel_loop3A_379 = vector.shape_cast %parallel_loop3A_378 : vector<1x16xf32> to vector<16xf32>
        %parallel_loop3A_380 = arith.constant 2.000000e+00 : f32
        %parallel_loop3A_381 = vector.broadcast %parallel_loop3A_380 : f32 to vector<16xf32>
        %parallel_loop3A_382 = arith.mulf %parallel_loop3A_379, %parallel_loop3A_381 : vector<16xf32>
        %parallel_loop3A_383 = arith.constant 5.000000e+00 : f32
        %parallel_loop3A_384 = vector.broadcast %parallel_loop3A_383 : f32 to vector<16xf32>
        %parallel_loop3A_385 = arith.addf %parallel_loop3A_382, %parallel_loop3A_384 : vector<16xf32>
        %parallel_loop3A_386 = arith.constant 0.000000e+00 : f32
        %parallel_loop3A_387 = vector.broadcast %parallel_loop3A_386 : f32 to vector<16xf32>
        %parallel_loop3A_388 = arith.maximumf %parallel_loop3A_385, %parallel_loop3A_387 : vector<16xf32>
        %parallel_loop3A_389 = arith.index_cast %add3A_371 : i32 to index
        %parallel_loop3A_390 = arith.index_cast %parallel_loop3A_375 : i32 to index
        %parallel_loop3A_391 = tpu.vector_load %arg9[%parallel_loop3A_389, %parallel_loop3A_390] {strides = array<i32>} : memref<16x1024xf32, #tpu.memory_space<vmem>>, vector<1x16xf32>,
        %parallel_loop3A_392 = vector.shape_cast %parallel_loop3A_391 : vector<1x16xf32> to vector<16xf32>
        %parallel_loop3A_393 = vector.shape_cast %parallel_loop3A_388 : vector<16xf32> to vector<1x16xf32>
        tpu.vector_store %arg9[%parallel_loop3A_389, %parallel_loop3A_390], %parallel_loop3A_393 {strides = array<i32>} : memref<16x1024xf32, #tpu.memory_space<vmem>>, vector<1x16xf32>,
      } {sc.loop_unroll_factor = 8 : i64, sc.parallel_access}
    }
    %scan3A_171 = arith.constant 16 : i32
    %add3A_172 = arith.constant 64 : i32
    %add3A_173 = arith.addi %multiple_of3A, %add3A_172 : i32
    %dma_start3A_174 = arith.constant 0 : i32
    %dma_start3A_175 = tpu.memref_slice %arg4[%add3A_173, %dma_start3A_174] : memref<6144x1024xf32, #tpu.memory_space<hbm>> -> memref<16x1024xf32, #tpu.memory_space<hbm>>
    %dma_start3A_176 = arith.constant 0 : i32
    %dma_start3A_177 = tpu.memref_slice %arg4[%add3A_173, %dma_start3A_176] : memref<6144x1024xf32, #tpu.memory_space<hbm>> -> memref<16x1024xf32, #tpu.memory_space<hbm>>
    tpu.enqueue_dma source(%arg9 : memref<16x1024xf32, #tpu.memory_space<vmem>>) target(%dma_start3A_177 : memref<16x1024xf32, #tpu.memory_space<hbm>>) target_semaphore(%arg23 : memref<!tpu.dma_semaphore, #tpu.memory_space<semaphore_mem>>)
    %add3A_178 = arith.constant 64 : i32
    %add3A_179 = arith.addi %multiple_of3A, %add3A_178 : i32
    %dma_wait3A_180 = arith.constant 0 : i32
    %dma_wait3A_181 = tpu.memref_slice %arg4[%add3A_179, %dma_wait3A_180] : memref<6144x1024xf32, #tpu.memory_space<hbm>> -> memref<16x1024xf32, #tpu.memory_space<hbm>>
    %dma_wait3A_182 = arith.constant 0 : i32
    %dma_wait3A_183 = tpu.memref_slice %arg4[%add3A_179, %dma_wait3A_182] : memref<6144x1024xf32, #tpu.memory_space<hbm>> -> memref<16x1024xf32, #tpu.memory_space<hbm>>
    tpu.wait_dma2 semaphore(%arg23 : memref<!tpu.dma_semaphore, #tpu.memory_space<semaphore_mem>>) src(%arg9 : memref<16x1024xf32, #tpu.memory_space<vmem>>) dst(%dma_wait3A_183 : memref<16x1024xf32, #tpu.memory_space<hbm>>)
    %add3A_184 = arith.constant 48 : i32
    %add3A_185 = arith.addi %multiple_of3A_5, %add3A_184 : i32
    %dma_start3A_186 = arith.constant 0 : i32
    %dma_start3A_187 = tpu.memref_slice %arg3[%add3A_185, %dma_start3A_186] : memref<2048x1024xf32, #tpu.memory_space<hbm>> -> memref<16x1024xf32, #tpu.memory_space<hbm>>
    %dma_start3A_188 = arith.constant 0 : i32
    %dma_start3A_189 = tpu.memref_slice %arg3[%add3A_185, %dma_start3A_188] : memref<2048x1024xf32, #tpu.memory_space<hbm>> -> memref<16x1024xf32, #tpu.memory_space<hbm>>
    tpu.enqueue_dma source(%dma_start3A_189 : memref<16x1024xf32, #tpu.memory_space<hbm>>) target(%arg9 : memref<16x1024xf32, #tpu.memory_space<vmem>>) target_semaphore(%arg16 : memref<!tpu.dma_semaphore, #tpu.memory_space<semaphore_mem>>)
    %add3A_190 = arith.constant 80 : i32
    %add3A_191 = arith.addi %multiple_of3A, %add3A_190 : i32
    %dma_wait3A_192 = arith.constant 0 : i32
    %dma_wait3A_193 = tpu.memref_slice %arg2[%add3A_191, %dma_wait3A_192] : memref<4096x1024xf32, #tpu.memory_space<hbm>> -> memref<16x1024xf32, #tpu.memory_space<hbm>>
    %dma_wait3A_194 = arith.constant 0 : i32
    %dma_wait3A_195 = tpu.memref_slice %arg2[%add3A_191, %dma_wait3A_194] : memref<4096x1024xf32, #tpu.memory_space<hbm>> -> memref<16x1024xf32, #tpu.memory_space<hbm>>
    tpu.wait_dma2 semaphore(%arg17 : memref<!tpu.dma_semaphore, #tpu.memory_space<semaphore_mem>>) src(%dma_wait3A_195 : memref<16x1024xf32, #tpu.memory_space<hbm>>) dst(%arg10 : memref<16x1024xf32, #tpu.memory_space<vmem>>)
    %scan3A_196 = arith.constant 0 : i32
    %scan3A_197 = arith.constant 16 : i32
    %scan3A_198 = arith.addi %scan3A_196, %scan3A_197 : i32
    %scan3A_199 = arith.constant 1 : i32
    scf.for %scan3A_367 = %scan3A_196 to %scan3A_198 step %scan3A_199  : i32 {
      %mul3A_368 = arith.constant 1 : i32
      %mul3A_369 = arith.muli %scan3A_367, %mul3A_368 : i32
      %add3A_370 = arith.constant 0 : i32
      %add3A_371 = arith.addi %add3A_370, %mul3A_369 : i32
      %parallel_loop3A = arith.constant 0 : i32
      %parallel_loop3A_372 = arith.constant 1024 : i32
      %parallel_loop3A_373 = arith.constant 16 : i32
      scf.for %parallel_loop3A_374 = %parallel_loop3A to %parallel_loop3A_372 step %parallel_loop3A_373  : i32 {
        %parallel_loop3A_375 = tpu.assume_multiple %parallel_loop3A_374, 16 : i32
        %parallel_loop3A_376 = arith.index_cast %add3A_371 : i32 to index
        %parallel_loop3A_377 = arith.index_cast %parallel_loop3A_375 : i32 to index
        %parallel_loop3A_378 = tpu.vector_load %arg10[%parallel_loop3A_376, %parallel_loop3A_377] {strides = array<i32>} : memref<16x1024xf32, #tpu.memory_space<vmem>>, vector<1x16xf32>,
        %parallel_loop3A_379 = vector.shape_cast %parallel_loop3A_378 : vector<1x16xf32> to vector<16xf32>
        %parallel_loop3A_380 = arith.constant 2.000000e+00 : f32
        %parallel_loop3A_381 = vector.broadcast %parallel_loop3A_380 : f32 to vector<16xf32>
        %parallel_loop3A_382 = arith.mulf %parallel_loop3A_379, %parallel_loop3A_381 : vector<16xf32>
        %parallel_loop3A_383 = arith.constant 5.000000e+00 : f32
        %parallel_loop3A_384 = vector.broadcast %parallel_loop3A_383 : f32 to vector<16xf32>
        %parallel_loop3A_385 = arith.addf %parallel_loop3A_382, %parallel_loop3A_384 : vector<16xf32>
        %parallel_loop3A_386 = arith.constant 0.000000e+00 : f32
        %parallel_loop3A_387 = vector.broadcast %parallel_loop3A_386 : f32 to vector<16xf32>
        %parallel_loop3A_388 = arith.maximumf %parallel_loop3A_385, %parallel_loop3A_387 : vector<16xf32>
        %parallel_loop3A_389 = arith.index_cast %add3A_371 : i32 to index
        %parallel_loop3A_390 = arith.index_cast %parallel_loop3A_375 : i32 to index
        %parallel_loop3A_391 = tpu.vector_load %arg10[%parallel_loop3A_389, %parallel_loop3A_390] {strides = array<i32>} : memref<16x1024xf32, #tpu.memory_space<vmem>>, vector<1x16xf32>,
        %parallel_loop3A_392 = vector.shape_cast %parallel_loop3A_391 : vector<1x16xf32> to vector<16xf32>
        %parallel_loop3A_393 = vector.shape_cast %parallel_loop3A_388 : vector<16xf32> to vector<1x16xf32>
        tpu.vector_store %arg10[%parallel_loop3A_389, %parallel_loop3A_390], %parallel_loop3A_393 {strides = array<i32>} : memref<16x1024xf32, #tpu.memory_space<vmem>>, vector<1x16xf32>,
      } {sc.loop_unroll_factor = 8 : i64, sc.parallel_access}
    }
    %scan3A_200 = arith.constant 16 : i32
    %add3A_201 = arith.constant 80 : i32
    %add3A_202 = arith.addi %multiple_of3A, %add3A_201 : i32
    %dma_start3A_203 = arith.constant 0 : i32
    %dma_start3A_204 = tpu.memref_slice %arg4[%add3A_202, %dma_start3A_203] : memref<6144x1024xf32, #tpu.memory_space<hbm>> -> memref<16x1024xf32, #tpu.memory_space<hbm>>
    %dma_start3A_205 = arith.constant 0 : i32
    %dma_start3A_206 = tpu.memref_slice %arg4[%add3A_202, %dma_start3A_205] : memref<6144x1024xf32, #tpu.memory_space<hbm>> -> memref<16x1024xf32, #tpu.memory_space<hbm>>
    tpu.enqueue_dma source(%arg10 : memref<16x1024xf32, #tpu.memory_space<vmem>>) target(%dma_start3A_206 : memref<16x1024xf32, #tpu.memory_space<hbm>>) target_semaphore(%arg24 : memref<!tpu.dma_semaphore, #tpu.memory_space<semaphore_mem>>)
    %add3A_207 = arith.constant 96 : i32
    %add3A_208 = arith.addi %multiple_of3A, %add3A_207 : i32
    %dma_wait3A_209 = arith.constant 0 : i32
    %dma_wait3A_210 = tpu.memref_slice %arg2[%add3A_208, %dma_wait3A_209] : memref<4096x1024xf32, #tpu.memory_space<hbm>> -> memref<16x1024xf32, #tpu.memory_space<hbm>>
    %dma_wait3A_211 = arith.constant 0 : i32
    %dma_wait3A_212 = tpu.memref_slice %arg2[%add3A_208, %dma_wait3A_211] : memref<4096x1024xf32, #tpu.memory_space<hbm>> -> memref<16x1024xf32, #tpu.memory_space<hbm>>
    tpu.wait_dma2 semaphore(%arg18 : memref<!tpu.dma_semaphore, #tpu.memory_space<semaphore_mem>>) src(%dma_wait3A_212 : memref<16x1024xf32, #tpu.memory_space<hbm>>) dst(%arg11 : memref<16x1024xf32, #tpu.memory_space<vmem>>)
    %scan3A_213 = arith.constant 0 : i32
    %scan3A_214 = arith.constant 16 : i32
    %scan3A_215 = arith.addi %scan3A_213, %scan3A_214 : i32
    %scan3A_216 = arith.constant 1 : i32
    scf.for %scan3A_367 = %scan3A_213 to %scan3A_215 step %scan3A_216  : i32 {
      %mul3A_368 = arith.constant 1 : i32
      %mul3A_369 = arith.muli %scan3A_367, %mul3A_368 : i32
      %add3A_370 = arith.constant 0 : i32
      %add3A_371 = arith.addi %add3A_370, %mul3A_369 : i32
      %parallel_loop3A = arith.constant 0 : i32
      %parallel_loop3A_372 = arith.constant 1024 : i32
      %parallel_loop3A_373 = arith.constant 16 : i32
      scf.for %parallel_loop3A_374 = %parallel_loop3A to %parallel_loop3A_372 step %parallel_loop3A_373  : i32 {
        %parallel_loop3A_375 = tpu.assume_multiple %parallel_loop3A_374, 16 : i32
        %parallel_loop3A_376 = arith.index_cast %add3A_371 : i32 to index
        %parallel_loop3A_377 = arith.index_cast %parallel_loop3A_375 : i32 to index
        %parallel_loop3A_378 = tpu.vector_load %arg11[%parallel_loop3A_376, %parallel_loop3A_377] {strides = array<i32>} : memref<16x1024xf32, #tpu.memory_space<vmem>>, vector<1x16xf32>,
        %parallel_loop3A_379 = vector.shape_cast %parallel_loop3A_378 : vector<1x16xf32> to vector<16xf32>
        %parallel_loop3A_380 = arith.constant 2.000000e+00 : f32
        %parallel_loop3A_381 = vector.broadcast %parallel_loop3A_380 : f32 to vector<16xf32>
        %parallel_loop3A_382 = arith.mulf %parallel_loop3A_379, %parallel_loop3A_381 : vector<16xf32>
        %parallel_loop3A_383 = arith.constant 5.000000e+00 : f32
        %parallel_loop3A_384 = vector.broadcast %parallel_loop3A_383 : f32 to vector<16xf32>
        %parallel_loop3A_385 = arith.addf %parallel_loop3A_382, %parallel_loop3A_384 : vector<16xf32>
        %parallel_loop3A_386 = arith.constant 0.000000e+00 : f32
        %parallel_loop3A_387 = vector.broadcast %parallel_loop3A_386 : f32 to vector<16xf32>
        %parallel_loop3A_388 = arith.maximumf %parallel_loop3A_385, %parallel_loop3A_387 : vector<16xf32>
        %parallel_loop3A_389 = arith.index_cast %add3A_371 : i32 to index
        %parallel_loop3A_390 = arith.index_cast %parallel_loop3A_375 : i32 to index
        %parallel_loop3A_391 = tpu.vector_load %arg11[%parallel_loop3A_389, %parallel_loop3A_390] {strides = array<i32>} : memref<16x1024xf32, #tpu.memory_space<vmem>>, vector<1x16xf32>,
        %parallel_loop3A_392 = vector.shape_cast %parallel_loop3A_391 : vector<1x16xf32> to vector<16xf32>
        %parallel_loop3A_393 = vector.shape_cast %parallel_loop3A_388 : vector<16xf32> to vector<1x16xf32>
        tpu.vector_store %arg11[%parallel_loop3A_389, %parallel_loop3A_390], %parallel_loop3A_393 {strides = array<i32>} : memref<16x1024xf32, #tpu.memory_space<vmem>>, vector<1x16xf32>,
      } {sc.loop_unroll_factor = 8 : i64, sc.parallel_access}
    }
    %scan3A_217 = arith.constant 16 : i32
    %add3A_218 = arith.constant 96 : i32
    %add3A_219 = arith.addi %multiple_of3A, %add3A_218 : i32
    %dma_start3A_220 = arith.constant 0 : i32
    %dma_start3A_221 = tpu.memref_slice %arg4[%add3A_219, %dma_start3A_220] : memref<6144x1024xf32, #tpu.memory_space<hbm>> -> memref<16x1024xf32, #tpu.memory_space<hbm>>
    %dma_start3A_222 = arith.constant 0 : i32
    %dma_start3A_223 = tpu.memref_slice %arg4[%add3A_219, %dma_start3A_222] : memref<6144x1024xf32, #tpu.memory_space<hbm>> -> memref<16x1024xf32, #tpu.memory_space<hbm>>
    tpu.enqueue_dma source(%arg11 : memref<16x1024xf32, #tpu.memory_space<vmem>>) target(%dma_start3A_223 : memref<16x1024xf32, #tpu.memory_space<hbm>>) target_semaphore(%arg25 : memref<!tpu.dma_semaphore, #tpu.memory_space<semaphore_mem>>)
    %add3A_224 = arith.constant 112 : i32
    %add3A_225 = arith.addi %multiple_of3A, %add3A_224 : i32
    %dma_wait3A_226 = arith.constant 0 : i32
    %dma_wait3A_227 = tpu.memref_slice %arg2[%add3A_225, %dma_wait3A_226] : memref<4096x1024xf32, #tpu.memory_space<hbm>> -> memref<16x1024xf32, #tpu.memory_space<hbm>>
    %dma_wait3A_228 = arith.constant 0 : i32
    %dma_wait3A_229 = tpu.memref_slice %arg2[%add3A_225, %dma_wait3A_228] : memref<4096x1024xf32, #tpu.memory_space<hbm>> -> memref<16x1024xf32, #tpu.memory_space<hbm>>
    tpu.wait_dma2 semaphore(%arg12 : memref<!tpu.dma_semaphore, #tpu.memory_space<semaphore_mem>>) src(%dma_wait3A_229 : memref<16x1024xf32, #tpu.memory_space<hbm>>) dst(%arg5 : memref<16x1024xf32, #tpu.memory_space<vmem>>)
    %scan3A_230 = arith.constant 0 : i32
    %scan3A_231 = arith.constant 16 : i32
    %scan3A_232 = arith.addi %scan3A_230, %scan3A_231 : i32
    %scan3A_233 = arith.constant 1 : i32
    scf.for %scan3A_367 = %scan3A_230 to %scan3A_232 step %scan3A_233  : i32 {
      %mul3A_368 = arith.constant 1 : i32
      %mul3A_369 = arith.muli %scan3A_367, %mul3A_368 : i32
      %add3A_370 = arith.constant 0 : i32
      %add3A_371 = arith.addi %add3A_370, %mul3A_369 : i32
      %parallel_loop3A = arith.constant 0 : i32
      %parallel_loop3A_372 = arith.constant 1024 : i32
      %parallel_loop3A_373 = arith.constant 16 : i32
      scf.for %parallel_loop3A_374 = %parallel_loop3A to %parallel_loop3A_372 step %parallel_loop3A_373  : i32 {
        %parallel_loop3A_375 = tpu.assume_multiple %parallel_loop3A_374, 16 : i32
        %parallel_loop3A_376 = arith.index_cast %add3A_371 : i32 to index
        %parallel_loop3A_377 = arith.index_cast %parallel_loop3A_375 : i32 to index
        %parallel_loop3A_378 = tpu.vector_load %arg5[%parallel_loop3A_376, %parallel_loop3A_377] {strides = array<i32>} : memref<16x1024xf32, #tpu.memory_space<vmem>>, vector<1x16xf32>,
        %parallel_loop3A_379 = vector.shape_cast %parallel_loop3A_378 : vector<1x16xf32> to vector<16xf32>
        %parallel_loop3A_380 = arith.constant 2.000000e+00 : f32
        %parallel_loop3A_381 = vector.broadcast %parallel_loop3A_380 : f32 to vector<16xf32>
        %parallel_loop3A_382 = arith.mulf %parallel_loop3A_379, %parallel_loop3A_381 : vector<16xf32>
        %parallel_loop3A_383 = arith.constant 5.000000e+00 : f32
        %parallel_loop3A_384 = vector.broadcast %parallel_loop3A_383 : f32 to vector<16xf32>
        %parallel_loop3A_385 = arith.addf %parallel_loop3A_382, %parallel_loop3A_384 : vector<16xf32>
        %parallel_loop3A_386 = arith.constant 0.000000e+00 : f32
        %parallel_loop3A_387 = vector.broadcast %parallel_loop3A_386 : f32 to vector<16xf32>
        %parallel_loop3A_388 = arith.maximumf %parallel_loop3A_385, %parallel_loop3A_387 : vector<16xf32>
        %parallel_loop3A_389 = arith.index_cast %add3A_371 : i32 to index
        %parallel_loop3A_390 = arith.index_cast %parallel_loop3A_375 : i32 to index
        %parallel_loop3A_391 = tpu.vector_load %arg5[%parallel_loop3A_389, %parallel_loop3A_390] {strides = array<i32>} : memref<16x1024xf32, #tpu.memory_space<vmem>>, vector<1x16xf32>,
        %parallel_loop3A_392 = vector.shape_cast %parallel_loop3A_391 : vector<1x16xf32> to vector<16xf32>
        %parallel_loop3A_393 = vector.shape_cast %parallel_loop3A_388 : vector<16xf32> to vector<1x16xf32>
        tpu.vector_store %arg5[%parallel_loop3A_389, %parallel_loop3A_390], %parallel_loop3A_393 {strides = array<i32>} : memref<16x1024xf32, #tpu.memory_space<vmem>>, vector<1x16xf32>,
      } {sc.loop_unroll_factor = 8 : i64, sc.parallel_access}
    }
    %scan3A_234 = arith.constant 16 : i32
    %add3A_235 = arith.constant 112 : i32
    %add3A_236 = arith.addi %multiple_of3A, %add3A_235 : i32
    %dma_start3A_237 = arith.constant 0 : i32
    %dma_start3A_238 = tpu.memref_slice %arg4[%add3A_236, %dma_start3A_237] : memref<6144x1024xf32, #tpu.memory_space<hbm>> -> memref<16x1024xf32, #tpu.memory_space<hbm>>
    %dma_start3A_239 = arith.constant 0 : i32
    %dma_start3A_240 = tpu.memref_slice %arg4[%add3A_236, %dma_start3A_239] : memref<6144x1024xf32, #tpu.memory_space<hbm>> -> memref<16x1024xf32, #tpu.memory_space<hbm>>
    tpu.enqueue_dma source(%arg5 : memref<16x1024xf32, #tpu.memory_space<vmem>>) target(%dma_start3A_240 : memref<16x1024xf32, #tpu.memory_space<hbm>>) target_semaphore(%arg19 : memref<!tpu.dma_semaphore, #tpu.memory_space<semaphore_mem>>)
    %add3A_241 = arith.constant 0 : i32
    %add3A_242 = arith.addi %multiple_of3A_5, %add3A_241 : i32
    %dma_wait3A_243 = arith.constant 0 : i32
    %dma_wait3A_244 = tpu.memref_slice %arg3[%add3A_242, %dma_wait3A_243] : memref<2048x1024xf32, #tpu.memory_space<hbm>> -> memref<16x1024xf32, #tpu.memory_space<hbm>>
    %dma_wait3A_245 = arith.constant 0 : i32
    %dma_wait3A_246 = tpu.memref_slice %arg3[%add3A_242, %dma_wait3A_245] : memref<2048x1024xf32, #tpu.memory_space<hbm>> -> memref<16x1024xf32, #tpu.memory_space<hbm>>
    tpu.wait_dma2 semaphore(%arg13 : memref<!tpu.dma_semaphore, #tpu.memory_space<semaphore_mem>>) src(%dma_wait3A_246 : memref<16x1024xf32, #tpu.memory_space<hbm>>) dst(%arg6 : memref<16x1024xf32, #tpu.memory_space<vmem>>)
    %scan3A_247 = arith.constant 0 : i32
    %scan3A_248 = arith.constant 16 : i32
    %scan3A_249 = arith.addi %scan3A_247, %scan3A_248 : i32
    %scan3A_250 = arith.constant 1 : i32
    scf.for %scan3A_367 = %scan3A_247 to %scan3A_249 step %scan3A_250  : i32 {
      %mul3A_368 = arith.constant 1 : i32
      %mul3A_369 = arith.muli %scan3A_367, %mul3A_368 : i32
      %add3A_370 = arith.constant 0 : i32
      %add3A_371 = arith.addi %add3A_370, %mul3A_369 : i32
      %parallel_loop3A = arith.constant 0 : i32
      %parallel_loop3A_372 = arith.constant 1024 : i32
      %parallel_loop3A_373 = arith.constant 16 : i32
      scf.for %parallel_loop3A_374 = %parallel_loop3A to %parallel_loop3A_372 step %parallel_loop3A_373  : i32 {
        %parallel_loop3A_375 = tpu.assume_multiple %parallel_loop3A_374, 16 : i32
        %parallel_loop3A_376 = arith.index_cast %add3A_371 : i32 to index
        %parallel_loop3A_377 = arith.index_cast %parallel_loop3A_375 : i32 to index
        %parallel_loop3A_378 = tpu.vector_load %arg6[%parallel_loop3A_376, %parallel_loop3A_377] {strides = array<i32>} : memref<16x1024xf32, #tpu.memory_space<vmem>>, vector<1x16xf32>,
        %parallel_loop3A_379 = vector.shape_cast %parallel_loop3A_378 : vector<1x16xf32> to vector<16xf32>
        %parallel_loop3A_380 = arith.constant 2.000000e+00 : f32
        %parallel_loop3A_381 = vector.broadcast %parallel_loop3A_380 : f32 to vector<16xf32>
        %parallel_loop3A_382 = arith.mulf %parallel_loop3A_379, %parallel_loop3A_381 : vector<16xf32>
        %parallel_loop3A_383 = arith.constant 5.000000e+00 : f32
        %parallel_loop3A_384 = vector.broadcast %parallel_loop3A_383 : f32 to vector<16xf32>
        %parallel_loop3A_385 = arith.addf %parallel_loop3A_382, %parallel_loop3A_384 : vector<16xf32>
        %parallel_loop3A_386 = arith.constant 0.000000e+00 : f32
        %parallel_loop3A_387 = vector.broadcast %parallel_loop3A_386 : f32 to vector<16xf32>
        %parallel_loop3A_388 = arith.maximumf %parallel_loop3A_385, %parallel_loop3A_387 : vector<16xf32>
        %parallel_loop3A_389 = arith.index_cast %add3A_371 : i32 to index
        %parallel_loop3A_390 = arith.index_cast %parallel_loop3A_375 : i32 to index
        %parallel_loop3A_391 = tpu.vector_load %arg6[%parallel_loop3A_389, %parallel_loop3A_390] {strides = array<i32>} : memref<16x1024xf32, #tpu.memory_space<vmem>>, vector<1x16xf32>,
        %parallel_loop3A_392 = vector.shape_cast %parallel_loop3A_391 : vector<1x16xf32> to vector<16xf32>
        %parallel_loop3A_393 = vector.shape_cast %parallel_loop3A_388 : vector<16xf32> to vector<1x16xf32>
        tpu.vector_store %arg6[%parallel_loop3A_389, %parallel_loop3A_390], %parallel_loop3A_393 {strides = array<i32>} : memref<16x1024xf32, #tpu.memory_space<vmem>>, vector<1x16xf32>,
      } {sc.loop_unroll_factor = 8 : i64, sc.parallel_access}
    }
    %scan3A_251 = arith.constant 16 : i32
    %add3A_252 = arith.constant 4096 : i32
    %add3A_253 = arith.addi %add3A_252, %multiple_of3A_5 : i32
    %add3A_254 = arith.constant 0 : i32
    %add3A_255 = arith.addi %add3A_253, %add3A_254 : i32
    %dma_start3A_256 = arith.constant 0 : i32
    %dma_start3A_257 = tpu.memref_slice %arg4[%add3A_255, %dma_start3A_256] : memref<6144x1024xf32, #tpu.memory_space<hbm>> -> memref<16x1024xf32, #tpu.memory_space<hbm>>
    %dma_start3A_258 = arith.constant 0 : i32
    %dma_start3A_259 = tpu.memref_slice %arg4[%add3A_255, %dma_start3A_258] : memref<6144x1024xf32, #tpu.memory_space<hbm>> -> memref<16x1024xf32, #tpu.memory_space<hbm>>
    tpu.enqueue_dma source(%arg6 : memref<16x1024xf32, #tpu.memory_space<vmem>>) target(%dma_start3A_259 : memref<16x1024xf32, #tpu.memory_space<hbm>>) target_semaphore(%arg20 : memref<!tpu.dma_semaphore, #tpu.memory_space<semaphore_mem>>)
    %add3A_260 = arith.constant 16 : i32
    %add3A_261 = arith.addi %multiple_of3A_5, %add3A_260 : i32
    %dma_wait3A_262 = arith.constant 0 : i32
    %dma_wait3A_263 = tpu.memref_slice %arg3[%add3A_261, %dma_wait3A_262] : memref<2048x1024xf32, #tpu.memory_space<hbm>> -> memref<16x1024xf32, #tpu.memory_space<hbm>>
    %dma_wait3A_264 = arith.constant 0 : i32
    %dma_wait3A_265 = tpu.memref_slice %arg3[%add3A_261, %dma_wait3A_264] : memref<2048x1024xf32, #tpu.memory_space<hbm>> -> memref<16x1024xf32, #tpu.memory_space<hbm>>
    tpu.wait_dma2 semaphore(%arg14 : memref<!tpu.dma_semaphore, #tpu.memory_space<semaphore_mem>>) src(%dma_wait3A_265 : memref<16x1024xf32, #tpu.memory_space<hbm>>) dst(%arg7 : memref<16x1024xf32, #tpu.memory_space<vmem>>)
    %scan3A_266 = arith.constant 0 : i32
    %scan3A_267 = arith.constant 16 : i32
    %scan3A_268 = arith.addi %scan3A_266, %scan3A_267 : i32
    %scan3A_269 = arith.constant 1 : i32
    scf.for %scan3A_367 = %scan3A_266 to %scan3A_268 step %scan3A_269  : i32 {
      %mul3A_368 = arith.constant 1 : i32
      %mul3A_369 = arith.muli %scan3A_367, %mul3A_368 : i32
      %add3A_370 = arith.constant 0 : i32
      %add3A_371 = arith.addi %add3A_370, %mul3A_369 : i32
      %parallel_loop3A = arith.constant 0 : i32
      %parallel_loop3A_372 = arith.constant 1024 : i32
      %parallel_loop3A_373 = arith.constant 16 : i32
      scf.for %parallel_loop3A_374 = %parallel_loop3A to %parallel_loop3A_372 step %parallel_loop3A_373  : i32 {
        %parallel_loop3A_375 = tpu.assume_multiple %parallel_loop3A_374, 16 : i32
        %parallel_loop3A_376 = arith.index_cast %add3A_371 : i32 to index
        %parallel_loop3A_377 = arith.index_cast %parallel_loop3A_375 : i32 to index
        %parallel_loop3A_378 = tpu.vector_load %arg7[%parallel_loop3A_376, %parallel_loop3A_377] {strides = array<i32>} : memref<16x1024xf32, #tpu.memory_space<vmem>>, vector<1x16xf32>,
        %parallel_loop3A_379 = vector.shape_cast %parallel_loop3A_378 : vector<1x16xf32> to vector<16xf32>
        %parallel_loop3A_380 = arith.constant 2.000000e+00 : f32
        %parallel_loop3A_381 = vector.broadcast %parallel_loop3A_380 : f32 to vector<16xf32>
        %parallel_loop3A_382 = arith.mulf %parallel_loop3A_379, %parallel_loop3A_381 : vector<16xf32>
        %parallel_loop3A_383 = arith.constant 5.000000e+00 : f32
        %parallel_loop3A_384 = vector.broadcast %parallel_loop3A_383 : f32 to vector<16xf32>
        %parallel_loop3A_385 = arith.addf %parallel_loop3A_382, %parallel_loop3A_384 : vector<16xf32>
        %parallel_loop3A_386 = arith.constant 0.000000e+00 : f32
        %parallel_loop3A_387 = vector.broadcast %parallel_loop3A_386 : f32 to vector<16xf32>
        %parallel_loop3A_388 = arith.maximumf %parallel_loop3A_385, %parallel_loop3A_387 : vector<16xf32>
        %parallel_loop3A_389 = arith.index_cast %add3A_371 : i32 to index
        %parallel_loop3A_390 = arith.index_cast %parallel_loop3A_375 : i32 to index
        %parallel_loop3A_391 = tpu.vector_load %arg7[%parallel_loop3A_389, %parallel_loop3A_390] {strides = array<i32>} : memref<16x1024xf32, #tpu.memory_space<vmem>>, vector<1x16xf32>,
        %parallel_loop3A_392 = vector.shape_cast %parallel_loop3A_391 : vector<1x16xf32> to vector<16xf32>
        %parallel_loop3A_393 = vector.shape_cast %parallel_loop3A_388 : vector<16xf32> to vector<1x16xf32>
        tpu.vector_store %arg7[%parallel_loop3A_389, %parallel_loop3A_390], %parallel_loop3A_393 {strides = array<i32>} : memref<16x1024xf32, #tpu.memory_space<vmem>>, vector<1x16xf32>,
      } {sc.loop_unroll_factor = 8 : i64, sc.parallel_access}
    }
    %scan3A_270 = arith.constant 16 : i32
    %add3A_271 = arith.constant 4096 : i32
    %add3A_272 = arith.addi %add3A_271, %multiple_of3A_5 : i32
    %add3A_273 = arith.constant 16 : i32
    %add3A_274 = arith.addi %add3A_272, %add3A_273 : i32
    %dma_start3A_275 = arith.constant 0 : i32
    %dma_start3A_276 = tpu.memref_slice %arg4[%add3A_274, %dma_start3A_275] : memref<6144x1024xf32, #tpu.memory_space<hbm>> -> memref<16x1024xf32, #tpu.memory_space<hbm>>
    %dma_start3A_277 = arith.constant 0 : i32
    %dma_start3A_278 = tpu.memref_slice %arg4[%add3A_274, %dma_start3A_277] : memref<6144x1024xf32, #tpu.memory_space<hbm>> -> memref<16x1024xf32, #tpu.memory_space<hbm>>
    tpu.enqueue_dma source(%arg7 : memref<16x1024xf32, #tpu.memory_space<vmem>>) target(%dma_start3A_278 : memref<16x1024xf32, #tpu.memory_space<hbm>>) target_semaphore(%arg21 : memref<!tpu.dma_semaphore, #tpu.memory_space<semaphore_mem>>)
    %add3A_279 = arith.constant 32 : i32
    %add3A_280 = arith.addi %multiple_of3A_5, %add3A_279 : i32
    %dma_wait3A_281 = arith.constant 0 : i32
    %dma_wait3A_282 = tpu.memref_slice %arg3[%add3A_280, %dma_wait3A_281] : memref<2048x1024xf32, #tpu.memory_space<hbm>> -> memref<16x1024xf32, #tpu.memory_space<hbm>>
    %dma_wait3A_283 = arith.constant 0 : i32
    %dma_wait3A_284 = tpu.memref_slice %arg3[%add3A_280, %dma_wait3A_283] : memref<2048x1024xf32, #tpu.memory_space<hbm>> -> memref<16x1024xf32, #tpu.memory_space<hbm>>
    tpu.wait_dma2 semaphore(%arg15 : memref<!tpu.dma_semaphore, #tpu.memory_space<semaphore_mem>>) src(%dma_wait3A_284 : memref<16x1024xf32, #tpu.memory_space<hbm>>) dst(%arg8 : memref<16x1024xf32, #tpu.memory_space<vmem>>)
    %scan3A_285 = arith.constant 0 : i32
    %scan3A_286 = arith.constant 16 : i32
    %scan3A_287 = arith.addi %scan3A_285, %scan3A_286 : i32
    %scan3A_288 = arith.constant 1 : i32
    scf.for %scan3A_367 = %scan3A_285 to %scan3A_287 step %scan3A_288  : i32 {
      %mul3A_368 = arith.constant 1 : i32
      %mul3A_369 = arith.muli %scan3A_367, %mul3A_368 : i32
      %add3A_370 = arith.constant 0 : i32
      %add3A_371 = arith.addi %add3A_370, %mul3A_369 : i32
      %parallel_loop3A = arith.constant 0 : i32
      %parallel_loop3A_372 = arith.constant 1024 : i32
      %parallel_loop3A_373 = arith.constant 16 : i32
      scf.for %parallel_loop3A_374 = %parallel_loop3A to %parallel_loop3A_372 step %parallel_loop3A_373  : i32 {
        %parallel_loop3A_375 = tpu.assume_multiple %parallel_loop3A_374, 16 : i32
        %parallel_loop3A_376 = arith.index_cast %add3A_371 : i32 to index
        %parallel_loop3A_377 = arith.index_cast %parallel_loop3A_375 : i32 to index
        %parallel_loop3A_378 = tpu.vector_load %arg8[%parallel_loop3A_376, %parallel_loop3A_377] {strides = array<i32>} : memref<16x1024xf32, #tpu.memory_space<vmem>>, vector<1x16xf32>,
        %parallel_loop3A_379 = vector.shape_cast %parallel_loop3A_378 : vector<1x16xf32> to vector<16xf32>
        %parallel_loop3A_380 = arith.constant 2.000000e+00 : f32
        %parallel_loop3A_381 = vector.broadcast %parallel_loop3A_380 : f32 to vector<16xf32>
        %parallel_loop3A_382 = arith.mulf %parallel_loop3A_379, %parallel_loop3A_381 : vector<16xf32>
        %parallel_loop3A_383 = arith.constant 5.000000e+00 : f32
        %parallel_loop3A_384 = vector.broadcast %parallel_loop3A_383 : f32 to vector<16xf32>
        %parallel_loop3A_385 = arith.addf %parallel_loop3A_382, %parallel_loop3A_384 : vector<16xf32>
        %parallel_loop3A_386 = arith.constant 0.000000e+00 : f32
        %parallel_loop3A_387 = vector.broadcast %parallel_loop3A_386 : f32 to vector<16xf32>
        %parallel_loop3A_388 = arith.maximumf %parallel_loop3A_385, %parallel_loop3A_387 : vector<16xf32>
        %parallel_loop3A_389 = arith.index_cast %add3A_371 : i32 to index
        %parallel_loop3A_390 = arith.index_cast %parallel_loop3A_375 : i32 to index
        %parallel_loop3A_391 = tpu.vector_load %arg8[%parallel_loop3A_389, %parallel_loop3A_390] {strides = array<i32>} : memref<16x1024xf32, #tpu.memory_space<vmem>>, vector<1x16xf32>,
        %parallel_loop3A_392 = vector.shape_cast %parallel_loop3A_391 : vector<1x16xf32> to vector<16xf32>
        %parallel_loop3A_393 = vector.shape_cast %parallel_loop3A_388 : vector<16xf32> to vector<1x16xf32>
        tpu.vector_store %arg8[%parallel_loop3A_389, %parallel_loop3A_390], %parallel_loop3A_393 {strides = array<i32>} : memref<16x1024xf32, #tpu.memory_space<vmem>>, vector<1x16xf32>,
      } {sc.loop_unroll_factor = 8 : i64, sc.parallel_access}
    }
    %scan3A_289 = arith.constant 16 : i32
    %add3A_290 = arith.constant 4096 : i32
    %add3A_291 = arith.addi %add3A_290, %multiple_of3A_5 : i32
    %add3A_292 = arith.constant 32 : i32
    %add3A_293 = arith.addi %add3A_291, %add3A_292 : i32
    %dma_start3A_294 = arith.constant 0 : i32
    %dma_start3A_295 = tpu.memref_slice %arg4[%add3A_293, %dma_start3A_294] : memref<6144x1024xf32, #tpu.memory_space<hbm>> -> memref<16x1024xf32, #tpu.memory_space<hbm>>
    %dma_start3A_296 = arith.constant 0 : i32
    %dma_start3A_297 = tpu.memref_slice %arg4[%add3A_293, %dma_start3A_296] : memref<6144x1024xf32, #tpu.memory_space<hbm>> -> memref<16x1024xf32, #tpu.memory_space<hbm>>
    tpu.enqueue_dma source(%arg8 : memref<16x1024xf32, #tpu.memory_space<vmem>>) target(%dma_start3A_297 : memref<16x1024xf32, #tpu.memory_space<hbm>>) target_semaphore(%arg22 : memref<!tpu.dma_semaphore, #tpu.memory_space<semaphore_mem>>)
    %add3A_298 = arith.constant 48 : i32
    %add3A_299 = arith.addi %multiple_of3A_5, %add3A_298 : i32
    %dma_wait3A_300 = arith.constant 0 : i32
    %dma_wait3A_301 = tpu.memref_slice %arg3[%add3A_299, %dma_wait3A_300] : memref<2048x1024xf32, #tpu.memory_space<hbm>> -> memref<16x1024xf32, #tpu.memory_space<hbm>>
    %dma_wait3A_302 = arith.constant 0 : i32
    %dma_wait3A_303 = tpu.memref_slice %arg3[%add3A_299, %dma_wait3A_302] : memref<2048x1024xf32, #tpu.memory_space<hbm>> -> memref<16x1024xf32, #tpu.memory_space<hbm>>
    tpu.wait_dma2 semaphore(%arg16 : memref<!tpu.dma_semaphore, #tpu.memory_space<semaphore_mem>>) src(%dma_wait3A_303 : memref<16x1024xf32, #tpu.memory_space<hbm>>) dst(%arg9 : memref<16x1024xf32, #tpu.memory_space<vmem>>)
    %scan3A_304 = arith.constant 0 : i32
    %scan3A_305 = arith.constant 16 : i32
    %scan3A_306 = arith.addi %scan3A_304, %scan3A_305 : i32
    %scan3A_307 = arith.constant 1 : i32
    scf.for %scan3A_367 = %scan3A_304 to %scan3A_306 step %scan3A_307  : i32 {
      %mul3A_368 = arith.constant 1 : i32
      %mul3A_369 = arith.muli %scan3A_367, %mul3A_368 : i32
      %add3A_370 = arith.constant 0 : i32
      %add3A_371 = arith.addi %add3A_370, %mul3A_369 : i32
      %parallel_loop3A = arith.constant 0 : i32
      %parallel_loop3A_372 = arith.constant 1024 : i32
      %parallel_loop3A_373 = arith.constant 16 : i32
      scf.for %parallel_loop3A_374 = %parallel_loop3A to %parallel_loop3A_372 step %parallel_loop3A_373  : i32 {
        %parallel_loop3A_375 = tpu.assume_multiple %parallel_loop3A_374, 16 : i32
        %parallel_loop3A_376 = arith.index_cast %add3A_371 : i32 to index
        %parallel_loop3A_377 = arith.index_cast %parallel_loop3A_375 : i32 to index
        %parallel_loop3A_378 = tpu.vector_load %arg9[%parallel_loop3A_376, %parallel_loop3A_377] {strides = array<i32>} : memref<16x1024xf32, #tpu.memory_space<vmem>>, vector<1x16xf32>,
        %parallel_loop3A_379 = vector.shape_cast %parallel_loop3A_378 : vector<1x16xf32> to vector<16xf32>
        %parallel_loop3A_380 = arith.constant 2.000000e+00 : f32
        %parallel_loop3A_381 = vector.broadcast %parallel_loop3A_380 : f32 to vector<16xf32>
        %parallel_loop3A_382 = arith.mulf %parallel_loop3A_379, %parallel_loop3A_381 : vector<16xf32>
        %parallel_loop3A_383 = arith.constant 5.000000e+00 : f32
        %parallel_loop3A_384 = vector.broadcast %parallel_loop3A_383 : f32 to vector<16xf32>
        %parallel_loop3A_385 = arith.addf %parallel_loop3A_382, %parallel_loop3A_384 : vector<16xf32>
        %parallel_loop3A_386 = arith.constant 0.000000e+00 : f32
        %parallel_loop3A_387 = vector.broadcast %parallel_loop3A_386 : f32 to vector<16xf32>
        %parallel_loop3A_388 = arith.maximumf %parallel_loop3A_385, %parallel_loop3A_387 : vector<16xf32>
        %parallel_loop3A_389 = arith.index_cast %add3A_371 : i32 to index
        %parallel_loop3A_390 = arith.index_cast %parallel_loop3A_375 : i32 to index
        %parallel_loop3A_391 = tpu.vector_load %arg9[%parallel_loop3A_389, %parallel_loop3A_390] {strides = array<i32>} : memref<16x1024xf32, #tpu.memory_space<vmem>>, vector<1x16xf32>,
        %parallel_loop3A_392 = vector.shape_cast %parallel_loop3A_391 : vector<1x16xf32> to vector<16xf32>
        %parallel_loop3A_393 = vector.shape_cast %parallel_loop3A_388 : vector<16xf32> to vector<1x16xf32>
        tpu.vector_store %arg9[%parallel_loop3A_389, %parallel_loop3A_390], %parallel_loop3A_393 {strides = array<i32>} : memref<16x1024xf32, #tpu.memory_space<vmem>>, vector<1x16xf32>,
      } {sc.loop_unroll_factor = 8 : i64, sc.parallel_access}
    }
    %scan3A_308 = arith.constant 16 : i32
    %add3A_309 = arith.constant 4096 : i32
    %add3A_310 = arith.addi %add3A_309, %multiple_of3A_5 : i32
    %add3A_311 = arith.constant 48 : i32
    %add3A_312 = arith.addi %add3A_310, %add3A_311 : i32
    %dma_start3A_313 = arith.constant 0 : i32
    %dma_start3A_314 = tpu.memref_slice %arg4[%add3A_312, %dma_start3A_313] : memref<6144x1024xf32, #tpu.memory_space<hbm>> -> memref<16x1024xf32, #tpu.memory_space<hbm>>
    %dma_start3A_315 = arith.constant 0 : i32
    %dma_start3A_316 = tpu.memref_slice %arg4[%add3A_312, %dma_start3A_315] : memref<6144x1024xf32, #tpu.memory_space<hbm>> -> memref<16x1024xf32, #tpu.memory_space<hbm>>
    tpu.enqueue_dma source(%arg9 : memref<16x1024xf32, #tpu.memory_space<vmem>>) target(%dma_start3A_316 : memref<16x1024xf32, #tpu.memory_space<hbm>>) target_semaphore(%arg23 : memref<!tpu.dma_semaphore, #tpu.memory_space<semaphore_mem>>)
    %add3A_317 = arith.constant 80 : i32
    %add3A_318 = arith.addi %multiple_of3A, %add3A_317 : i32
    %dma_wait3A_319 = arith.constant 0 : i32
    %dma_wait3A_320 = tpu.memref_slice %arg4[%add3A_318, %dma_wait3A_319] : memref<6144x1024xf32, #tpu.memory_space<hbm>> -> memref<16x1024xf32, #tpu.memory_space<hbm>>
    %dma_wait3A_321 = arith.constant 0 : i32
    %dma_wait3A_322 = tpu.memref_slice %arg4[%add3A_318, %dma_wait3A_321] : memref<6144x1024xf32, #tpu.memory_space<hbm>> -> memref<16x1024xf32, #tpu.memory_space<hbm>>
    tpu.wait_dma2 semaphore(%arg24 : memref<!tpu.dma_semaphore, #tpu.memory_space<semaphore_mem>>) src(%arg10 : memref<16x1024xf32, #tpu.memory_space<vmem>>) dst(%dma_wait3A_322 : memref<16x1024xf32, #tpu.memory_space<hbm>>)
    %add3A_323 = arith.constant 96 : i32
    %add3A_324 = arith.addi %multiple_of3A, %add3A_323 : i32
    %dma_wait3A_325 = arith.constant 0 : i32
    %dma_wait3A_326 = tpu.memref_slice %arg4[%add3A_324, %dma_wait3A_325] : memref<6144x1024xf32, #tpu.memory_space<hbm>> -> memref<16x1024xf32, #tpu.memory_space<hbm>>
    %dma_wait3A_327 = arith.constant 0 : i32
    %dma_wait3A_328 = tpu.memref_slice %arg4[%add3A_324, %dma_wait3A_327] : memref<6144x1024xf32, #tpu.memory_space<hbm>> -> memref<16x1024xf32, #tpu.memory_space<hbm>>
    tpu.wait_dma2 semaphore(%arg25 : memref<!tpu.dma_semaphore, #tpu.memory_space<semaphore_mem>>) src(%arg11 : memref<16x1024xf32, #tpu.memory_space<vmem>>) dst(%dma_wait3A_328 : memref<16x1024xf32, #tpu.memory_space<hbm>>)
    %add3A_329 = arith.constant 112 : i32
    %add3A_330 = arith.addi %multiple_of3A, %add3A_329 : i32
    %dma_wait3A_331 = arith.constant 0 : i32
    %dma_wait3A_332 = tpu.memref_slice %arg4[%add3A_330, %dma_wait3A_331] : memref<6144x1024xf32, #tpu.memory_space<hbm>> -> memref<16x1024xf32, #tpu.memory_space<hbm>>
    %dma_wait3A_333 = arith.constant 0 : i32
    %dma_wait3A_334 = tpu.memref_slice %arg4[%add3A_330, %dma_wait3A_333] : memref<6144x1024xf32, #tpu.memory_space<hbm>> -> memref<16x1024xf32, #tpu.memory_space<hbm>>
    tpu.wait_dma2 semaphore(%arg19 : memref<!tpu.dma_semaphore, #tpu.memory_space<semaphore_mem>>) src(%arg5 : memref<16x1024xf32, #tpu.memory_space<vmem>>) dst(%dma_wait3A_334 : memref<16x1024xf32, #tpu.memory_space<hbm>>)
    %add3A_335 = arith.constant 4096 : i32
    %add3A_336 = arith.addi %add3A_335, %multiple_of3A_5 : i32
    %add3A_337 = arith.constant 0 : i32
    %add3A_338 = arith.addi %add3A_336, %add3A_337 : i32
    %dma_wait3A_339 = arith.constant 0 : i32
    %dma_wait3A_340 = tpu.memref_slice %arg4[%add3A_338, %dma_wait3A_339] : memref<6144x1024xf32, #tpu.memory_space<hbm>> -> memref<16x1024xf32, #tpu.memory_space<hbm>>
    %dma_wait3A_341 = arith.constant 0 : i32
    %dma_wait3A_342 = tpu.memref_slice %arg4[%add3A_338, %dma_wait3A_341] : memref<6144x1024xf32, #tpu.memory_space<hbm>> -> memref<16x1024xf32, #tpu.memory_space<hbm>>
    tpu.wait_dma2 semaphore(%arg20 : memref<!tpu.dma_semaphore, #tpu.memory_space<semaphore_mem>>) src(%arg6 : memref<16x1024xf32, #tpu.memory_space<vmem>>) dst(%dma_wait3A_342 : memref<16x1024xf32, #tpu.memory_space<hbm>>)
    %add3A_343 = arith.constant 4096 : i32
    %add3A_344 = arith.addi %add3A_343, %multiple_of3A_5 : i32
    %add3A_345 = arith.constant 16 : i32
    %add3A_346 = arith.addi %add3A_344, %add3A_345 : i32
    %dma_wait3A_347 = arith.constant 0 : i32
    %dma_wait3A_348 = tpu.memref_slice %arg4[%add3A_346, %dma_wait3A_347] : memref<6144x1024xf32, #tpu.memory_space<hbm>> -> memref<16x1024xf32, #tpu.memory_space<hbm>>
    %dma_wait3A_349 = arith.constant 0 : i32
    %dma_wait3A_350 = tpu.memref_slice %arg4[%add3A_346, %dma_wait3A_349] : memref<6144x1024xf32, #tpu.memory_space<hbm>> -> memref<16x1024xf32, #tpu.memory_space<hbm>>
    tpu.wait_dma2 semaphore(%arg21 : memref<!tpu.dma_semaphore, #tpu.memory_space<semaphore_mem>>) src(%arg7 : memref<16x1024xf32, #tpu.memory_space<vmem>>) dst(%dma_wait3A_350 : memref<16x1024xf32, #tpu.memory_space<hbm>>)
    %add3A_351 = arith.constant 4096 : i32
    %add3A_352 = arith.addi %add3A_351, %multiple_of3A_5 : i32
    %add3A_353 = arith.constant 32 : i32
    %add3A_354 = arith.addi %add3A_352, %add3A_353 : i32
    %dma_wait3A_355 = arith.constant 0 : i32
    %dma_wait3A_356 = tpu.memref_slice %arg4[%add3A_354, %dma_wait3A_355] : memref<6144x1024xf32, #tpu.memory_space<hbm>> -> memref<16x1024xf32, #tpu.memory_space<hbm>>
    %dma_wait3A_357 = arith.constant 0 : i32
    %dma_wait3A_358 = tpu.memref_slice %arg4[%add3A_354, %dma_wait3A_357] : memref<6144x1024xf32, #tpu.memory_space<hbm>> -> memref<16x1024xf32, #tpu.memory_space<hbm>>
    tpu.wait_dma2 semaphore(%arg22 : memref<!tpu.dma_semaphore, #tpu.memory_space<semaphore_mem>>) src(%arg8 : memref<16x1024xf32, #tpu.memory_space<vmem>>) dst(%dma_wait3A_358 : memref<16x1024xf32, #tpu.memory_space<hbm>>)
    %add3A_359 = arith.constant 4096 : i32
    %add3A_360 = arith.addi %add3A_359, %multiple_of3A_5 : i32
    %add3A_361 = arith.constant 48 : i32
    %add3A_362 = arith.addi %add3A_360, %add3A_361 : i32
    %dma_wait3A_363 = arith.constant 0 : i32
    %dma_wait3A_364 = tpu.memref_slice %arg4[%add3A_362, %dma_wait3A_363] : memref<6144x1024xf32, #tpu.memory_space<hbm>> -> memref<16x1024xf32, #tpu.memory_space<hbm>>
    %dma_wait3A_365 = arith.constant 0 : i32
    %dma_wait3A_366 = tpu.memref_slice %arg4[%add3A_362, %dma_wait3A_365] : memref<6144x1024xf32, #tpu.memory_space<hbm>> -> memref<16x1024xf32, #tpu.memory_space<hbm>>
    tpu.wait_dma2 semaphore(%arg23 : memref<!tpu.dma_semaphore, #tpu.memory_space<semaphore_mem>>) src(%arg9 : memref<16x1024xf32, #tpu.memory_space<vmem>>) dst(%dma_wait3A_366 : memref<16x1024xf32, #tpu.memory_space<hbm>>)
    return
  }
}

</mosaic_0001>

<sc_bundles>
// kernel: kernel.3.cloned.1.call-start
scs
__scs_entry_jumppad:
0x0: {  	(pc) =	sbr.rel $0x88, $3  }
0x1: {  	(tag) =	ssettag $0x0;
	lr =	simm.s32 $0x1  }
0x2: {  	[smem:$0x3F9F] =	sst lr;
	_ =	strace $0xD0000000  }
0x3: {  	_ = 	snop  }
0x4: {  	_ = 	snop  }
0x5: {  	_ = 	snop  }
0x6: {  	_ = 	snop  }
0x7: {  	_ = 	snop  }
__scs_overlays_trampoline_lowered:
0x8: {  	[smem:$0x3FAE] =	sst s0  }
0x9: {  	[smem:$0x3FAF] =	sst s1  }
0xa: {  	[smem:$0x3FB0] =	sst s2  }
0xb: {  	[smem:$0x3FB1] =	sst s3  }
0xc: {  	[smem:$0x3FB2] =	sst s4  }
0xd: {  	[smem:$0x3FB3] =	sst s5  }
0xe: {  	[smem:$0x3FB4] =	sst s6  }
0xf: {  	[smem:$0x3FB5] =	sst s7  }
0x10: {  	[smem:$0x3FB6] =	sst s8  }
0x11: {  	[smem:$0x3FB7] =	sst s9;
	s0 =	simm.s32 @!p0 $0x0  }
0x12: {  	s1 =	sld [smem:$0x3F9D];
	s0 =	simm.s32 @p0 $0x1  }
0x13: {  	[smem:$0x3FB8] =	sst s0;
	s0 =	simm.s32 @!p1 $0x0  }
0x14: {  	s2 =	sld [smem:$0x3F9C];
	s0 =	simm.s32 @p1 $0x1  }
0x15: {  	[smem:$0x3FB9] =	sst s0;
	s0 =	simm.s32 @!p2 $0x0  }
0x16: {  	s3 =	sld [smem:$0x3FDB];
	s0 =	simm.s32 @p2 $0x1  }
0x17: {  	s4 =	simm.s32 $0x1BF5;
	[smem:$0x3FBB] =	sst s0  }
0x18: {  	s0 =	sld [smem:$0x3F9E];
	_ =	swait.ge [sflag:s4], $0x0  }
0x19: {  	s7 =	sld [smem:$0x3F9F]  }
0x1a: {  	s8 =	sadd.s32 $0xFFFFE003, lr  }
0x1b: {  	s9 =	sadd.s32 $0xFFFFFEF7, lr;
	s5 =	simm.s32 $0xFFFFFFFF;
	p2 =	slt.u32 s8, $0xFFFFF086  }
0x1c: {  	p1 =	slt.u32 s9, $0xF7A;
	s5 =	simm.s32 @!p2 $0x0  }
0x1d: {  	s5 =	simm.s32 @p1 $0x1;
	p0 =	seq.s32 s7, s2  }
0x1e: {  	s7 =	smul.u32 @!p0 $0xF7A, s2;
	p2 =	seq.s32 @!p0 s5, $0x0  }
0x1f: {  	s9 =	smul.u32 $0xF7A, s1;
	s8 =	simm.s32 @!p0 $0x1BF5;
	p2 =	por !p2, p0  }
0x20: {  	[sflag:s8] =	ssyncset.s32 @!p0 $0xFFFFF086;
	s6 =	sadd.s32 @!p0 s3, s7;
	s7 =	simm.s32 @!p0 $0x108  }
0x21: {  	s3 =	sadd.s32 s3, s9;
	s6 =	sadd.s32 @!p0 $0x88, s6;
	s7 =	simm.s32 @p2 $0x1082  }
0x22: {  	[simem:s7], [sflag:s8] =	dma.local @!p0 [hbm:s6], $0xF7A  }
0x23: {  	s9 =	sor.u32 $0xD0000000, s2;
	s6 =	simm.s32 $0x108;
	_ =	swait.ge @!p0 [sflag:s8], $0x0  }
0x24: {  	s3 =	sadd.s32 $0x88, s3;
	s6 =	simm.s32 @!p1 $0x1082;
	[sflag:s4] =	ssyncset.s32 $0xFFFFF086  }
0x25: {  	[simem:s6], [sflag:s4] =	dma.local [hbm:s3], $0xF7A  }
0x26: {  	[smem:$0x3F9F] =	sst s1;
	(tag) =	ssettag s2;
	_ =	strace s9  }
0x27: {  	s1 =	sld [smem:$0x3FAF]  }
0x28: {  	s2 =	sld [smem:$0x3FB0]  }
0x29: {  	s4 =	sld [smem:$0x3FB2]  }
0x2a: {  	p0 =	seq.s32 s5, $0x0;
	s5 =	sld [smem:$0x3FB3]  }
0x2b: {  	s6 =	sld [smem:$0x3FB4]  }
0x2c: {  	s7 =	sld [smem:$0x3FB5]  }
0x2d: {  	s3 =	simm.s32 $0x108;
	s8 =	sld [smem:$0x3FB6]  }
0x2e: {  	s3 =	simm.s32 @!p0 $0x1082;
	s9 =	sld [smem:$0x3FB7]  }
0x2f: {  	lr =	sadd.s32 s0, s3;
	s0 =	sld [smem:$0x3FAE]  }
0x30: {  	s3 =	sld [smem:$0x3FB1]  }
0x31: {  	[smem:$0x3FBA] =	sst s10  }
0x32: {  	s10 =	sld [smem:$0x3FB8];
	_ =	sdelay $0x3  }
0x33: {  	p0 =	seq.s32 s10, $0x1;
	s10 =	sld [smem:$0x3FBA];
	_ =	sdelay $0x3  }
0x34: {  	[smem:$0x3FBA] =	sst s10  }
0x35: {  	s10 =	sld [smem:$0x3FB9];
	_ =	sdelay $0x3  }
0x36: {  	p1 =	seq.s32 s10, $0x1;
	s10 =	sld [smem:$0x3FBA];
	_ =	sdelay $0x3  }
0x37: {  	[smem:$0x3FBA] =	sst s10  }
0x38: {  	s10 =	sld [smem:$0x3FBB]  }
0x39: {  	_ = 	snop;
	(pc) =	sbr.ind lr, $3  }
0x3a: {  	_ = 	snop  }
0x3b: {  	_ = 	snop  }
0x3c: {  	p2 =	seq.s32 s10, $0x1;
	s10 =	sld [smem:$0x3FBA]  }
0x3d: {  	_ =	shalt  }
0x3e: {  	_ =	shalt  }
0x3f: {  	_ =	shalt  }
0x40: {  	_ =	shalt  }
0x41: {  	_ =	shalt  }
0x42: {  	_ =	shalt  }
0x43: {  	_ =	shalt  }
0x44: {  	_ =	shalt  }
0x45: {  	_ =	shalt  }
0x46: {  	_ =	shalt  }
0x47: {  	_ =	shalt  }
0x48: {  	_ =	shalt  }
0x49: {  	_ =	shalt  }
0x4a: {  	_ =	shalt  }
0x4b: {  	_ =	shalt  }
0x4c: {  	_ =	shalt  }
0x4d: {  	_ =	shalt  }
0x4e: {  	_ =	shalt  }
0x4f: {  	_ =	shalt  }
0x50: {  	_ =	shalt  }
0x51: {  	_ =	shalt  }
0x52: {  	_ =	shalt  }
0x53: {  	_ =	shalt  }
0x54: {  	_ =	shalt  }
0x55: {  	_ =	shalt  }
0x56: {  	_ =	shalt  }
0x57: {  	_ =	shalt  }
0x58: {  	_ =	shalt  }
0x59: {  	_ =	shalt  }
0x5a: {  	_ =	shalt  }
0x5b: {  	_ =	shalt  }
0x5c: {  	_ =	shalt  }
0x5d: {  	_ =	shalt  }
0x5e: {  	_ =	shalt  }
0x5f: {  	_ =	shalt  }
0x60: {  	_ =	shalt  }
0x61: {  	_ =	shalt  }
0x62: {  	_ =	shalt  }
0x63: {  	_ =	shalt  }
0x64: {  	_ =	shalt  }
0x65: {  	_ =	shalt  }
0x66: {  	_ =	shalt  }
0x67: {  	_ =	shalt  }
0x68: {  	_ =	shalt  }
0x69: {  	_ =	shalt  }
0x6a: {  	_ =	shalt  }
0x6b: {  	_ =	shalt  }
0x6c: {  	_ =	shalt  }
0x6d: {  	_ =	shalt  }
0x6e: {  	_ =	shalt  }
0x6f: {  	_ =	shalt  }
0x70: {  	_ =	shalt  }
0x71: {  	_ =	shalt  }
0x72: {  	_ =	shalt  }
0x73: {  	_ =	shalt  }
0x74: {  	_ =	shalt  }
0x75: {  	_ =	shalt  }
0x76: {  	_ =	shalt  }
0x77: {  	_ =	shalt  }
0x78: {  	_ =	shalt  }
0x79: {  	_ =	shalt  }
0x7a: {  	_ =	shalt  }
0x7b: {  	_ =	shalt  }
0x7c: {  	_ =	shalt  }
0x7d: {  	_ =	shalt  }
0x7e: {  	_ =	shalt  }
0x7f: {  	_ =	shalt  }
0x80: {  	_ =	shalt  }
0x81: {  	_ =	shalt  }
0x82: {  	_ =	shalt  }
0x83: {  	_ =	shalt  }
0x84: {  	_ =	shalt  }
0x85: {  	_ =	shalt  }
0x86: {  	_ =	shalt  }
0x87: {  	_ =	shalt  }
.Lfunc_end0:
.L_simem_size_0:
called_computation_lowered:
.L_overlay_start_0:
0x88: {  	s2 =	sld [smem:$0x3FD9]  }
0x89: {  	s3 =	sld [smem:$0x3FFE];
	_ =	sdelay $0x1  }
0x8a: {  	s1 =	srdreg.scid  }
0x8b: {  	s0 =	sand.u32 $0x1, s1  }
0x8c: {  	s18 =	sshll.u32 s0, $0xA;
	s2 =	sadd.s32 s3, s2  }
0x8d: {  	s2 =	sadd.s32 s2, s18  }
0x8e: {  	[smem:$0x3FC6] =	sst s2  }
0x8f: {  	_ = 	snop  }
0x90: {  	s2 =	sld [smem:$0x3FC9]  }
0x91: {  	s19 =	sld [smem:$0x3FC8]  }
0x92: {  	s4 =	sld [smem:$0x3FD0];
	(tm) =	ssettm $0x1  }
0x93: {  	s5 =	sld [smem:$0x3FFB];
	_ =	sdelay $0x3  }
0x94: {  	_ =	strace s5  }
0x95: {  	s5 =	sld [smem:$0x3FFC];
	_ =	sdelay $0x3  }
0x96: {  	_ =	strace s5  }
0x97: {  	s5 =	sld [smem:$0x3FFD];
	_ =	sdelay $0x3  }
0x98: {  	_ =	strace s5  }
0x99: {  	_ =	strace $0x8FFFFFFF  }
0x9a: {  	s20 =	sld [smem:$0x3FDB];
	_ =	sdelay $0x1  }
0x9b: {  	s6 =	simm.s32 $_scs_section_size  }
0x9c: {  	s7 =	simm.s32 $_size__tile_overlayer_lowered;
	s8 =	simm.s32 $_tile_overlayer_lowered  }
0x9d: {  	s23 =	simm.s32 $0x1BFF;
	s22 =	sshll.u32 s8, $0x1;
	s5 =	sadd.s32 s6, s20  }
0x9e: {  	s9 =	simm.s32 $0x0;
	s21 =	sshll.u32 s7, $0x1;
	s7 =	sadd.s32 s22, s5  }
0x9f: {  	[timem:s9], [sflag:s23] =	dma.local [hbm:s7], s21  }
0xa0: {  	_ =	swait.ge [sflag:s23], s21  }
0xa1: {  	s6 =	ssub.s32 $0x0, s21;
	[sflag:s23] =	ssyncset.done $0x0  }
0xa2: {  	[sflag:s23] =	ssyncadd.s32 s6;
	_ =	sdelay $0x1  }
0xa3: {  	s24 =	simm.s32 $0x1B8B  }
0xa4: {  	_ =	swait.ge [sflag:s24], $0x1  }
0xa5: {  	[sflag:s24] =	ssyncset.done $0x0  }
0xa6: {  	s25 =	simm.s32 $0x1B8E;
	[sflag:s24] =	ssyncadd.s32 $0xFFFFFFFF  }
0xa7: {  	s26 =	simm.s32 $execute0_lowered;
	[smem:$0x3FD2] =	sst s25  }
0xa8: {  	s6 =	sshll.u32 s26, $0x1;
	_ =	strace $0x80000046;
	[dreg:$0x1] =	wrdreg $0xFFFFFFFF  }
0xa9: {  	s28 =	simm.s32 $_size_execute0_lowered;
	s5 =	sadd.s32 s5, s6;
	[dreg:$0x0] =	wrdreg $0x0  }
0xaa: {  	s6 =	sshll.u32 s28, $0x1;
	[dreg:$0x2] =	wrdreg s5  }
0xab: {  	[dreg:$0x3] =	wrdreg s6  }
0xac: {  	[dreg:$0x4] =	wrdreg $0xC0  }
0xad: {  	_ =	task [dreg:s9], $0x5FFFF  }
0xae: {  	[dreg:$0x1] =	wrdreg $0xFFFFFFFF  }
0xaf: {  	[dreg:$0x0] =	wrdreg $0x60  }
0xb0: {  	[dreg:$0x2] =	wrdreg s2  }
0xb1: {  	[dreg:$0x3] =	wrdreg s19  }
0xb2: {  	[dreg:$0x4] =	wrdreg s4  }
0xb3: {  	[dreg:$0x5] =	wrdreg $0x9  }
0xb4: {  	_ =	task.clear_ibuf [dreg:s9], $0x6FFFF;
	_ =	strace $0x90000046  }
0xb5: {  	s29 =	simm.s32 $0x9;
	_ =	strace $0x80000048  }
0xb6: {  	_ =	swait.ge [sflag:s29], $0x1  }
0xb7: {  	[sflag:s29] =	ssyncadd.s32 $0xFFFFFFFF  }
0xb8: {  	_ =	strace $0x90000048  }
0xb9: {  	_ =	sfence  }
0xba: {  	s30 =	sld [smem:$0x0];
	_ =	sdelay $0x2  }
0xbb: {  	s31 =	sshll.u32 s1, $0xD;
	s1 =	sshrl.u32 s1, $0x2  }
0xbc: {  	s3 =	sand.u32 $0x4000, s31;
	s1 =	sadd.s32 s1, s30  }
0xbd: {  	s0 =	sor.u32 s3, s0;
	s1 =	sshll.u32 s1, $0x11  }
0xbe: {  	s0 =	sor.u32 s1, s0  }
0xbf: {  	s0 =	sadd.s32 $0x8F2B, s0  }
0xc0: {  	[sflag:s0] =	ssyncadd.remote.s32 $0x1  }
0xc1: {  	_ =	sfence.sel $0xFFFF  }
0xc2: {  	[dreg:$0x0] =	wrdreg $0xFFFFFFFF;
	(pc) =	sbr.abs _section_cstart, $3  }
0xc3: {  	[dreg:$0x1] =	wrdreg $0xFFFFFFFF  }
0xc4: {  	_ =	task.clear_ibuf [dreg:s9], $0x2FFFF;
	_ =	strace $0x9FFFFFFF  }
0xc5: {  	(tm) =	ssettm $0x7FFFFFFF  }
tec
execute0_lowered:
.L_overlay_start_1:
0x0: {  	(tag) =	ssettag $0x1  }
0x1: {  	s0 =	rddreg [dreg:$0x0]  }
0x2: {  	s1 =	rddreg [dreg:$0x1]  }
0x3: {  	s3 =	rddreg [dreg:$0x2];
	s4 =	srdreg.scid;
	s2 =	simm.s32 $0x0  }
0x4: {  	s6 =	stileid.u32;
	s29 =	simm.s32 $0x4000;
	s30 =	simm.s32 $0x8000  }
0x5: {  	s31 =	simm.s32 $0xC000;
	s4 =	sand.u32 $0x1, s4;
	s6 =	sshll.u32 s6, $0x1  }
0x6: {  	[smem:$0x7FF] =	sst s2;
	s5 =	ssub.s32 $0x2, s4;
	s4 =	sor.u32 s4, s6  }
0x7: {  	s7 =	sshrl.u32 s5, $0x1;
	s6 =	sshll.u32 s4, $0xD;
	s4 =	sshll.u32 s4, $0xE  }
0x8: {  	_ =	strace $0x80000047;
	s5 =	ssub.s32 s5, s7;
	s20 =	sadd.s32 s0, s4  }
0x9: {  	s21 =	sor.u32 $0x800, s4;
	s14 =	sadd.s32 s3, s4;
	[dreg:$0x4] =	wrdreg s20  }
0xa: {  	s8 =	sor.u32 $0x1000, s4;
	s9 =	sadd.s32 s0, s21;
	[dreg:$0xb] =	wrdreg s14  }
0xb: {  	s23 =	sor.u32 $0x1800, s4;
	s22 =	sadd.s32 s0, s8;
	[dreg:$0x5] =	wrdreg s9  }
0xc: {  	s24 =	sor.u32 $0x2000, s4;
	s10 =	sadd.s32 s0, s23;
	[dreg:$0x6] =	wrdreg s22  }
0xd: {  	s11 =	sor.u32 $0x2800, s4;
	s12 =	sadd.s32 s0, s24;
	[dreg:$0x7] =	wrdreg s10  }
0xe: {  	s26 =	sor.u32 $0x3000, s4;
	s25 =	sadd.s32 s0, s11;
	[dreg:$0x8] =	wrdreg s12  }
0xf: {  	s4 =	sor.u32 $0x3800, s4;
	s13 =	sadd.s32 s0, s26;
	[dreg:$0x9] =	wrdreg s25  }
0x10: {  	s7 =	simm.s32 $0xA;
	s0 =	sadd.s32 s0, s4;
	[dreg:$0xa] =	wrdreg s13  }
0x11: {  	s15 =	sadd.s32 s3, s21;
	s16 =	sadd.s32 s3, s8;
	[dreg:$0xc] =	wrdreg s0  }
0x12: {  	s18 =	sadd.s32 s3, s23;
	s19 =	sadd.s32 s3, s24;
	[dreg:$0xd] =	wrdreg s15  }
0x13: {  	s20 =	sadd.s32 s3, s11;
	s21 =	sadd.s32 s6, s3;
	[dreg:$0xe] =	wrdreg s16  }
0x14: {  	s23 =	sadd.s32 s3, s4;
	s4 =	simm.s32 $0x1;
	[dreg:$0x10] =	wrdreg s18  }
0x15: {  	s8 =	simm.s32 $0x4;
	s11 =	simm.s32 $0xC;
	[dreg:$0x11] =	wrdreg s19  }
0x16: {  	s14 =	simm.s32 $0x7;
	s13 =	sadd.s32 s1, s6;
	[dreg:$0x12] =	wrdreg s20  }
0x17: {  	s22 =	sadd.s32 s3, s26;
	[dreg:$0x14] =	wrdreg s23;
	s24 =	sadd.s32 $0x80000, s21  }
0x18: {  	s25 =	sadd.s32 $0x80800, s21;
	s26 =	sadd.s32 $0x81000, s21;
	s0 =	sadd.s32 $0x81800, s21  }
0x19: {  	s1 =	simm.s32 $0x2;
	s6 =	simm.s32 $0x9;
	[dreg:$0x13] =	wrdreg s22  }
0x1a: {  	s3 =	simm.s32 $0x3;
	s9 =	simm.s32 $0xB;
	[dreg:$0x15] =	wrdreg s24  }
0x1b: {  	s10 =	simm.s32 $0x5;
	s12 =	simm.s32 $0x6;
	[dreg:$0x16] =	wrdreg s25  }
0x1c: {  	s15 =	simm.s32 $0xD;
	s16 =	simm.s32 $0xE;
	[dreg:$0x17] =	wrdreg s26  }
0x1d: {  	s17 =	sadd.s32 $0x800, s13;
	[dreg:$0x18] =	wrdreg s0;
	s25 =	smax.u32 s5, $0x1  }
0x1e: {  	s26 =	sadd.s32 $0x1000, s13;
	s28 =	sadd.s32 $0x1800, s13;
	s0 =	simm.s32 $0x10000  }
0x1f: {  	s5 =	simm.s32 $0x8;
	[dreg:$0xf] =	wrdreg s17;
	s17 =	simm.s32 $0x0  }
.LBB2_1:
0x20: {  	s18 =	rddreg [dreg:$0x4]  }
0x21: {  	[tilespmem:s2], [sflag:$0x1] =	stream.linear.gather [hbm4b:s18+s2], $0x4000, $0x38;
	[tilespmem:$0x1C000] =	vst v63  }
0x22: {  	s24 =	rddreg [dreg:$0x5]  }
0x23: {  	[tilespmem:s29], [sflag:$0x2] =	stream.linear.gather [hbm4b:s24+s2], $0x4000, $0x38;
	[tilespmem:$0x1C000] =	vst v63  }
0x24: {  	s19 =	rddreg [dreg:$0x6]  }
0x25: {  	[tilespmem:s30], [sflag:$0x3] =	stream.linear.gather [hbm4b:s19+s2], $0x4000, $0x38;
	[tilespmem:$0x1C000] =	vst v63  }
0x26: {  	s20 =	rddreg [dreg:$0x7]  }
0x27: {  	[tilespmem:s31], [sflag:$0x4] =	stream.linear.gather [hbm4b:s20+s2], $0x4000, $0x38;
	[tilespmem:$0x1C000] =	vst v63  }
0x28: {  	s21 =	rddreg [dreg:$0x8]  }
0x29: {  	[tilespmem:s0], [sflag:$0x5] =	stream.linear.gather [hbm4b:s21+s2], $0x4000, $0x38;
	[tilespmem:$0x1C000] =	vst v63  }
0x2a: {  	s22 =	rddreg [dreg:$0x9];
	s19 =	simm.s32 $0x14000  }
0x2b: {  	[tilespmem:s19], [sflag:$0x6] =	stream.linear.gather [hbm4b:s22+s2], $0x4000, $0x38;
	[tilespmem:$0x1C000] =	vst v63  }
0x2c: {  	s23 =	rddreg [dreg:$0xa];
	s24 =	simm.s32 $0x18000  }
0x2d: {  	[tilespmem:s24], [sflag:$0x7] =	stream.linear.gather [hbm4b:s23+s2], $0x4000, $0x38;
	[tilespmem:$0x1C000] =	vst v63  }
0x2e: {  	_ =	swait.ge [sflag:s4], $0x4000  }
0x2f: {  	s18 =	simm.s32 $0x0;
	[sflag:s4] =	ssyncset.done $0x0  }
0x30: {  	s20 =	simm.s32 $0x0;
	s19 =	simm.s32 $0x0;
	[sflag:s4] =	ssyncadd.s32 $0xFFFFC000  }
.LBB2_2:
0x31: {  	s21 =	sshll.u32 s19, $0x2;
	s22 =	sand.u32 $0x7, s18  }
0x32: {  	s21 =	sand.u32 $0xFFFF8000, s21;
	s22 =	sshll.u32 s22, $0x9  }
0x33: {  	s21 =	sor.u32 s22, s21  }
0x34: {  	s21 =	sshrl.u32 s21, $0x2  }
0x35: {  	s22 =	sor.u32 $0x40, s21  }
0x36: {  	v0 =	vld [tilespmem:s22+$0x30]  }
0x37: {  	v1 =	vld [tilespmem:s22+$0xFFFFFFD0]  }
0x38: {  	v2 =	vld [tilespmem:s22+$0xFFFFFFE0]  }
0x39: {  	v3 =	vld [tilespmem:s22+$0xFFFFFFF0]  }
0x3a: {  	v4 =	vld [tilespmem:s22+$0x0]  }
0x3b: {  	v5 =	vld [tilespmem:s22+$0x10];
	v0 =	vadd.f32 v0, v0  }
0x3c: {  	v6 =	vld [tilespmem:s22+$0x20];
	v1 =	vadd.f32 v1, v1  }
0x3d: {  	v7 =	vld [tilespmem:s22+$0xFFFFFFC0];
	s21 =	sadd.s32 $0x400, s22;
	v2 =	vadd.f32 v2, v2;
	v0 =	vadd.f32 $5.000000000e+00, v0  }
0x3e: {  	v8 =	vld [tilespmem:s21+$0x30];
	v3 =	vadd.f32 v3, v3;
	v1 =	vadd.f32 $5.000000000e+00, v1  }
0x3f: {  	v9 =	vld [tilespmem:s21+$0xFFFFFFD0];
	v4 =	vadd.f32 v4, v4;
	v10 =	vadd.f32 $5.000000000e+00, v2;
	v0 =	vmax.f32 v0, $0.0e+00  }
0x40: {  	v11 =	vld [tilespmem:s21+$0xFFFFFFE0];
	v5 =	vadd.f32 v5, v5;
	v12 =	vadd.f32 $5.000000000e+00, v3;
	v1 =	vmax.f32 v1, $0.0e+00;
	[tilespmem:s22+$0x30] =	vst v0  }
0x41: {  	v2 =	vld [tilespmem:s21+$0xFFFFFFF0];
	[tilespmem:s22+$0xFFFFFFD0] =	vst v1;
	v0 =	vmax.f32 v10, $0.0e+00;
	v1 =	vadd.f32 $5.000000000e+00, v4;
	v4 =	vadd.f32 v6, v6  }
0x42: {  	v3 =	vld [tilespmem:s21+$0x0];
	v6 =	vadd.f32 v7, v7;
	v7 =	vmax.f32 v12, $0.0e+00;
	v10 =	vadd.f32 $5.000000000e+00, v5;
	[tilespmem:s22+$0xFFFFFFE0] =	vst v0  }
0x43: {  	v63 =	vadd.f32 v8, v8;
	v0 =	vld [tilespmem:s21+$0x10];
	[tilespmem:s22+$0xFFFFFFF0] =	vst v7;
	v7 =	vmax.f32 v1, $0.0e+00;
	v13 =	vadd.f32 $5.000000000e+00, v4  }
0x44: {  	v5 =	vadd.f32 v9, v9;
	v1 =	vld [tilespmem:s21+$0x20];
	v6 =	vadd.f32 $5.000000000e+00, v6;
	v9 =	vmax.f32 v10, $0.0e+00;
	[tilespmem:s22+$0x0] =	vst v7  }
0x45: {  	s23 =	simm.s32 $0x80;
	s24 =	sadd.s32 $0x400, s21;
	v8 =	vadd.f32 v11, v11;
	v4 =	vld [tilespmem:s21+$0xFFFFFFC0];
	v7 =	vadd.f32 $5.000000000e+00, v63;
	[tilespmem:s22+$0x10] =	vst v9;
	v9 =	vmax.f32 v13, $0.0e+00  }
.LBB2_3:
0x46: {  	v10 =	vld [tilespmem:s24+$0x30];
	s23 =	sadd.s32 $0x80, s23;
	v5 =	vadd.f32 $5.000000000e+00, v5;
	v2 =	vadd.f32 v2, v2;
	v6 =	vmax.f32 v6, $0.0e+00;
	[tilespmem:s22+$0x20] =	vst v9  }
0x47: {  	v9 =	vld [tilespmem:s24+$0xFFFFFFD0];
	p0 =	slt.u32 s23, $0x380;
	v8 =	vadd.f32 $5.000000000e+00, v8;
	v3 =	vadd.f32 v3, v3;
	v7 =	vmax.f32 v7, $0.0e+00;
	[tilespmem:s22+$0xFFFFFFC0] =	vst v6;
	s22 =	smov.u32 s21;
	s21 =	smov.u32 s24  }
0x48: {  	v11 =	vld [tilespmem:s24+$0xFFFFFFE0];
	v5 =	vmax.f32 v5, $0.0e+00;
	v6 =	vadd.f32 $5.000000000e+00, v2;
	v0 =	vadd.f32 v0, v0;
	[tilespmem:s22+$0x30] =	vst v7  }
.Ltmp0:
0x49: {  	v2 =	vld [tilespmem:s24+$0xFFFFFFF0];
	[tilespmem:s22+$0xFFFFFFD0] =	vst v5;
	v5 =	vmax.f32 v8, $0.0e+00;
	v7 =	vadd.f32 $5.000000000e+00, v3;
	v1 =	vadd.f32 v1, v1;
	(pc) =	sbr.rel @p0 .LBB2_3-.Ltmp0, $4  }
0x4a: {  	v3 =	vld [tilespmem:s24+$0x0];
	v4 =	vadd.f32 v4, v4;
	[tilespmem:s22+$0xFFFFFFE0] =	vst v5;
	v5 =	vmax.f32 v6, $0.0e+00;
	v8 =	vadd.f32 $5.000000000e+00, v0  }
0x4b: {  	v0 =	vld [tilespmem:s24+$0x10];
	v10 =	vadd.f32 v10, v10;
	[tilespmem:s22+$0xFFFFFFF0] =	vst v5;
	v7 =	vmax.f32 v7, $0.0e+00;
	v12 =	vadd.f32 $5.000000000e+00, v1  }
0x4c: {  	v5 =	vadd.f32 v9, v9;
	v1 =	vld [tilespmem:s24+$0x20];
	v6 =	vadd.f32 $5.000000000e+00, v4;
	[tilespmem:s22+$0x0] =	vst v7;
	v9 =	vmax.f32 v8, $0.0e+00  }
0x4d: {  	s24 =	sadd.s32 $0x400, s24;
	v4 =	vld [tilespmem:s21+$0xFFFFFFC0];
	v8 =	vadd.f32 v11, v11;
	v7 =	vadd.f32 $5.000000000e+00, v10;
	[tilespmem:s22+$0x10] =	vst v9;
	v9 =	vmax.f32 v12, $0.0e+00  }
0x4e: {  	v5 =	vadd.f32 $5.000000000e+00, v5;
	v2 =	vadd.f32 v2, v2;
	v6 =	vmax.f32 v6, $0.0e+00;
	[tilespmem:s22+$0x20] =	vst v9  }
0x4f: {  	v8 =	vadd.f32 $5.000000000e+00, v8;
	v3 =	vadd.f32 v3, v3;
	v7 =	vmax.f32 v7, $0.0e+00;
	[tilespmem:s22+$0xFFFFFFC0] =	vst v6  }
0x50: {  	v5 =	vmax.f32 v5, $0.0e+00;
	v2 =	vadd.f32 $5.000000000e+00, v2;
	v0 =	vadd.f32 v0, v0;
	[tilespmem:s21+$0x30] =	vst v7  }
0x51: {  	s20 =	sadd.s32 $0x1, s20;
	[tilespmem:s21+$0xFFFFFFD0] =	vst v5;
	v59 =	vmax.f32 v8, $0.0e+00;
	v3 =	vadd.f32 $5.000000000e+00, v3;
	v1 =	vadd.f32 v1, v1  }
0x52: {  	p0 =	sne.s32 s20, $0x10;
	v4 =	vadd.f32 v4, v4;
	[tilespmem:s21+$0xFFFFFFE0] =	vst v59;
	v2 =	vmax.f32 v2, $0.0e+00;
	v0 =	vadd.f32 $5.000000000e+00, v0  }
.Ltmp1:
0x53: {  	[tilespmem:s21+$0xFFFFFFF0] =	vst v2;
	v60 =	vmax.f32 v3, $0.0e+00;
	v1 =	vadd.f32 $5.000000000e+00, v1;
	(pc) =	sbr.rel @p0 .LBB2_2-.Ltmp1, $4  }
0x54: {  	v61 =	vadd.f32 $5.000000000e+00, v4;
	[tilespmem:s21+$0x0] =	vst v60;
	v0 =	vmax.f32 v0, $0.0e+00  }
0x55: {  	[tilespmem:s21+$0x10] =	vst v0;
	v62 =	vmax.f32 v1, $0.0e+00  }
0x56: {  	v63 =	vmax.f32 v61, $0.0e+00;
	[tilespmem:s21+$0x20] =	vst v62  }
0x57: {  	s19 =	sadd.s32 $0x400, s19;
	s18 =	sadd.s32 $0x1, s18;
	[tilespmem:s21+$0xFFFFFFC0] =	vst v63  }
0x58: {  	s18 =	simm.s32 $0x0;
	s19 =	rddreg [dreg:$0xb]  }
0x59: {  	[hbm4b:s19+s18] =	stream.linear.scatter [tilespmem:s18], [sflag:$0x8], $0x4000, $0x38;
	[tilespmem:$0x1C000] =	vst v63  }
0x5a: {  	_ =	swait.ge [sflag:s5], $0x4000  }
0x5b: {  	[sflag:s5] =	ssyncset.done $0x0  }
0x5c: {  	s24 =	rddreg [dreg:$0xc];
	[sflag:s5] =	ssyncadd.s32 $0xFFFFC000  }
0x5d: {  	[tilespmem:s18], [sflag:$0x1] =	stream.linear.gather [hbm4b:s24+s18], $0x4000, $0x38;
	[tilespmem:$0x1C000] =	vst v63  }
0x5e: {  	_ =	swait.ge [sflag:s1], $0x4000  }
0x5f: {  	[sflag:s1] =	ssyncset.done $0x0  }
0x60: {  	s20 =	simm.s32 $0x0;
	s19 =	simm.s32 $0x0;
	[sflag:s1] =	ssyncadd.s32 $0xFFFFC000  }
.LBB2_6:
0x61: {  	s21 =	sshll.u32 s19, $0x2;
	s22 =	sand.u32 $0x7, s18  }
0x62: {  	s21 =	sand.u32 $0xFFFF8000, s21;
	s22 =	sshll.u32 s22, $0x9  }
0x63: {  	s21 =	sor.u32 s22, s21  }
0x64: {  	s21 =	sshrl.u32 s21, $0x2  }
0x65: {  	s22 =	sadd.s32 $0x4040, s21  }
0x66: {  	v0 =	vld [tilespmem:s22+$0x30]  }
0x67: {  	v1 =	vld [tilespmem:s22+$0xFFFFFFD0]  }
0x68: {  	v2 =	vld [tilespmem:s22+$0xFFFFFFE0]  }
0x69: {  	v3 =	vld [tilespmem:s22+$0xFFFFFFF0]  }
0x6a: {  	v4 =	vld [tilespmem:s22+$0x0]  }
0x6b: {  	v5 =	vld [tilespmem:s22+$0x10];
	v0 =	vadd.f32 v0, v0  }
0x6c: {  	v6 =	vld [tilespmem:s22+$0x20];
	v1 =	vadd.f32 v1, v1  }
0x6d: {  	v7 =	vld [tilespmem:s22+$0xFFFFFFC0];
	s21 =	sadd.s32 $0x400, s22;
	v2 =	vadd.f32 v2, v2;
	v0 =	vadd.f32 $5.000000000e+00, v0  }
0x6e: {  	v8 =	vld [tilespmem:s21+$0x30];
	v3 =	vadd.f32 v3, v3;
	v1 =	vadd.f32 $5.000000000e+00, v1  }
0x6f: {  	v9 =	vld [tilespmem:s21+$0xFFFFFFD0];
	v4 =	vadd.f32 v4, v4;
	v10 =	vadd.f32 $5.000000000e+00, v2;
	v0 =	vmax.f32 v0, $0.0e+00  }
0x70: {  	v11 =	vld [tilespmem:s21+$0xFFFFFFE0];
	v5 =	vadd.f32 v5, v5;
	v12 =	vadd.f32 $5.000000000e+00, v3;
	v1 =	vmax.f32 v1, $0.0e+00;
	[tilespmem:s22+$0x30] =	vst v0  }
0x71: {  	v2 =	vld [tilespmem:s21+$0xFFFFFFF0];
	[tilespmem:s22+$0xFFFFFFD0] =	vst v1;
	v0 =	vmax.f32 v10, $0.0e+00;
	v1 =	vadd.f32 $5.000000000e+00, v4;
	v4 =	vadd.f32 v6, v6  }
0x72: {  	v3 =	vld [tilespmem:s21+$0x0];
	v6 =	vadd.f32 v7, v7;
	v7 =	vmax.f32 v12, $0.0e+00;
	v10 =	vadd.f32 $5.000000000e+00, v5;
	[tilespmem:s22+$0xFFFFFFE0] =	vst v0  }
0x73: {  	v63 =	vadd.f32 v8, v8;
	v0 =	vld [tilespmem:s21+$0x10];
	[tilespmem:s22+$0xFFFFFFF0] =	vst v7;
	v7 =	vmax.f32 v1, $0.0e+00;
	v13 =	vadd.f32 $5.000000000e+00, v4  }
0x74: {  	v5 =	vadd.f32 v9, v9;
	v1 =	vld [tilespmem:s21+$0x20];
	v6 =	vadd.f32 $5.000000000e+00, v6;
	v9 =	vmax.f32 v10, $0.0e+00;
	[tilespmem:s22+$0x0] =	vst v7  }
0x75: {  	s23 =	simm.s32 $0x80;
	s24 =	sadd.s32 $0x400, s21;
	v8 =	vadd.f32 v11, v11;
	v4 =	vld [tilespmem:s21+$0xFFFFFFC0];
	v7 =	vadd.f32 $5.000000000e+00, v63;
	[tilespmem:s22+$0x10] =	vst v9;
	v9 =	vmax.f32 v13, $0.0e+00  }
.LBB2_7:
0x76: {  	v10 =	vld [tilespmem:s24+$0x30];
	s23 =	sadd.s32 $0x80, s23;
	v5 =	vadd.f32 $5.000000000e+00, v5;
	v2 =	vadd.f32 v2, v2;
	v6 =	vmax.f32 v6, $0.0e+00;
	[tilespmem:s22+$0x20] =	vst v9  }
0x77: {  	v9 =	vld [tilespmem:s24+$0xFFFFFFD0];
	p0 =	slt.u32 s23, $0x380;
	v8 =	vadd.f32 $5.000000000e+00, v8;
	v3 =	vadd.f32 v3, v3;
	v7 =	vmax.f32 v7, $0.0e+00;
	[tilespmem:s22+$0xFFFFFFC0] =	vst v6;
	s22 =	smov.u32 s21;
	s21 =	smov.u32 s24  }
0x78: {  	v11 =	vld [tilespmem:s24+$0xFFFFFFE0];
	v5 =	vmax.f32 v5, $0.0e+00;
	v6 =	vadd.f32 $5.000000000e+00, v2;
	v0 =	vadd.f32 v0, v0;
	[tilespmem:s22+$0x30] =	vst v7  }
.Ltmp2:
0x79: {  	v2 =	vld [tilespmem:s24+$0xFFFFFFF0];
	[tilespmem:s22+$0xFFFFFFD0] =	vst v5;
	v5 =	vmax.f32 v8, $0.0e+00;
	v7 =	vadd.f32 $5.000000000e+00, v3;
	v1 =	vadd.f32 v1, v1;
	(pc) =	sbr.rel @p0 .LBB2_7-.Ltmp2, $4  }
0x7a: {  	v3 =	vld [tilespmem:s24+$0x0];
	v4 =	vadd.f32 v4, v4;
	[tilespmem:s22+$0xFFFFFFE0] =	vst v5;
	v5 =	vmax.f32 v6, $0.0e+00;
	v8 =	vadd.f32 $5.000000000e+00, v0  }
0x7b: {  	v0 =	vld [tilespmem:s24+$0x10];
	v10 =	vadd.f32 v10, v10;
	[tilespmem:s22+$0xFFFFFFF0] =	vst v5;
	v7 =	vmax.f32 v7, $0.0e+00;
	v12 =	vadd.f32 $5.000000000e+00, v1  }
0x7c: {  	v5 =	vadd.f32 v9, v9;
	v1 =	vld [tilespmem:s24+$0x20];
	v6 =	vadd.f32 $5.000000000e+00, v4;
	[tilespmem:s22+$0x0] =	vst v7;
	v9 =	vmax.f32 v8, $0.0e+00  }
0x7d: {  	s24 =	sadd.s32 $0x400, s24;
	v4 =	vld [tilespmem:s21+$0xFFFFFFC0];
	v8 =	vadd.f32 v11, v11;
	v7 =	vadd.f32 $5.000000000e+00, v10;
	[tilespmem:s22+$0x10] =	vst v9;
	v9 =	vmax.f32 v12, $0.0e+00  }
0x7e: {  	v5 =	vadd.f32 $5.000000000e+00, v5;
	v2 =	vadd.f32 v2, v2;
	v6 =	vmax.f32 v6, $0.0e+00;
	[tilespmem:s22+$0x20] =	vst v9  }
0x7f: {  	v8 =	vadd.f32 $5.000000000e+00, v8;
	v3 =	vadd.f32 v3, v3;
	v7 =	vmax.f32 v7, $0.0e+00;
	[tilespmem:s22+$0xFFFFFFC0] =	vst v6  }
0x80: {  	v5 =	vmax.f32 v5, $0.0e+00;
	v2 =	vadd.f32 $5.000000000e+00, v2;
	v0 =	vadd.f32 v0, v0;
	[tilespmem:s21+$0x30] =	vst v7  }
0x81: {  	s20 =	sadd.s32 $0x1, s20;
	[tilespmem:s21+$0xFFFFFFD0] =	vst v5;
	v59 =	vmax.f32 v8, $0.0e+00;
	v3 =	vadd.f32 $5.000000000e+00, v3;
	v1 =	vadd.f32 v1, v1  }
0x82: {  	p0 =	sne.s32 s20, $0x10;
	v4 =	vadd.f32 v4, v4;
	[tilespmem:s21+$0xFFFFFFE0] =	vst v59;
	v2 =	vmax.f32 v2, $0.0e+00;
	v0 =	vadd.f32 $5.000000000e+00, v0  }
.Ltmp3:
0x83: {  	[tilespmem:s21+$0xFFFFFFF0] =	vst v2;
	v60 =	vmax.f32 v3, $0.0e+00;
	v1 =	vadd.f32 $5.000000000e+00, v1;
	(pc) =	sbr.rel @p0 .LBB2_6-.Ltmp3, $4  }
0x84: {  	v61 =	vadd.f32 $5.000000000e+00, v4;
	[tilespmem:s21+$0x0] =	vst v60;
	v0 =	vmax.f32 v0, $0.0e+00  }
0x85: {  	[tilespmem:s21+$0x10] =	vst v0;
	v62 =	vmax.f32 v1, $0.0e+00  }
0x86: {  	v63 =	vmax.f32 v61, $0.0e+00;
	[tilespmem:s21+$0x20] =	vst v62  }
0x87: {  	s19 =	sadd.s32 $0x400, s19;
	s18 =	sadd.s32 $0x1, s18;
	[tilespmem:s21+$0xFFFFFFC0] =	vst v63  }
0x88: {  	s18 =	simm.s32 $0x0;
	s19 =	rddreg [dreg:$0xd]  }
0x89: {  	[hbm4b:s19+s18] =	stream.linear.scatter [tilespmem:s29], [sflag:$0x9], $0x4000, $0x38;
	[tilespmem:$0x1C000] =	vst v63  }
0x8a: {  	_ =	swait.ge [sflag:s6], $0x4000  }
0x8b: {  	[sflag:s6] =	ssyncset.done $0x0  }
0x8c: {  	[sflag:s6] =	ssyncadd.s32 $0xFFFFC000  }
0x8d: {  	[tilespmem:s29], [sflag:$0x2] =	stream.linear.gather [hbm4b:s13+s18], $0x4000, $0x38;
	[tilespmem:$0x1C000] =	vst v63  }
0x8e: {  	_ =	swait.ge [sflag:s3], $0x4000  }
0x8f: {  	[sflag:s3] =	ssyncset.done $0x0  }
0x90: {  	s20 =	simm.s32 $0x0;
	s19 =	simm.s32 $0x0;
	[sflag:s3] =	ssyncadd.s32 $0xFFFFC000  }
.LBB2_10:
0x91: {  	s21 =	sshll.u32 s19, $0x2;
	s22 =	sand.u32 $0x7, s18  }
0x92: {  	s21 =	sand.u32 $0xFFFF8000, s21;
	s22 =	sshll.u32 s22, $0x9  }
0x93: {  	s21 =	sor.u32 s22, s21  }
0x94: {  	s21 =	sshrl.u32 s21, $0x2  }
0x95: {  	s22 =	sadd.s32 $0x8040, s21  }
0x96: {  	v0 =	vld [tilespmem:s22+$0x30]  }
0x97: {  	v1 =	vld [tilespmem:s22+$0xFFFFFFD0]  }
0x98: {  	v2 =	vld [tilespmem:s22+$0xFFFFFFE0]  }
0x99: {  	v3 =	vld [tilespmem:s22+$0xFFFFFFF0]  }
0x9a: {  	v4 =	vld [tilespmem:s22+$0x0]  }
0x9b: {  	v5 =	vld [tilespmem:s22+$0x10];
	v0 =	vadd.f32 v0, v0  }
0x9c: {  	v6 =	vld [tilespmem:s22+$0x20];
	v1 =	vadd.f32 v1, v1  }
0x9d: {  	v7 =	vld [tilespmem:s22+$0xFFFFFFC0];
	s21 =	sadd.s32 $0x400, s22;
	v2 =	vadd.f32 v2, v2;
	v0 =	vadd.f32 $5.000000000e+00, v0  }
0x9e: {  	v8 =	vld [tilespmem:s21+$0x30];
	v3 =	vadd.f32 v3, v3;
	v1 =	vadd.f32 $5.000000000e+00, v1  }
0x9f: {  	v9 =	vld [tilespmem:s21+$0xFFFFFFD0];
	v4 =	vadd.f32 v4, v4;
	v10 =	vadd.f32 $5.000000000e+00, v2;
	v0 =	vmax.f32 v0, $0.0e+00  }
0xa0: {  	v11 =	vld [tilespmem:s21+$0xFFFFFFE0];
	v5 =	vadd.f32 v5, v5;
	v12 =	vadd.f32 $5.000000000e+00, v3;
	v1 =	vmax.f32 v1, $0.0e+00;
	[tilespmem:s22+$0x30] =	vst v0  }
0xa1: {  	v2 =	vld [tilespmem:s21+$0xFFFFFFF0];
	[tilespmem:s22+$0xFFFFFFD0] =	vst v1;
	v0 =	vmax.f32 v10, $0.0e+00;
	v1 =	vadd.f32 $5.000000000e+00, v4;
	v4 =	vadd.f32 v6, v6  }
0xa2: {  	v3 =	vld [tilespmem:s21+$0x0];
	v6 =	vadd.f32 v7, v7;
	v7 =	vmax.f32 v12, $0.0e+00;
	v10 =	vadd.f32 $5.000000000e+00, v5;
	[tilespmem:s22+$0xFFFFFFE0] =	vst v0  }
0xa3: {  	v63 =	vadd.f32 v8, v8;
	v0 =	vld [tilespmem:s21+$0x10];
	[tilespmem:s22+$0xFFFFFFF0] =	vst v7;
	v7 =	vmax.f32 v1, $0.0e+00;
	v13 =	vadd.f32 $5.000000000e+00, v4  }
0xa4: {  	v5 =	vadd.f32 v9, v9;
	v1 =	vld [tilespmem:s21+$0x20];
	v6 =	vadd.f32 $5.000000000e+00, v6;
	v9 =	vmax.f32 v10, $0.0e+00;
	[tilespmem:s22+$0x0] =	vst v7  }
0xa5: {  	s23 =	simm.s32 $0x80;
	s24 =	sadd.s32 $0x400, s21;
	v8 =	vadd.f32 v11, v11;
	v4 =	vld [tilespmem:s21+$0xFFFFFFC0];
	v7 =	vadd.f32 $5.000000000e+00, v63;
	[tilespmem:s22+$0x10] =	vst v9;
	v9 =	vmax.f32 v13, $0.0e+00  }
.LBB2_11:
0xa6: {  	v10 =	vld [tilespmem:s24+$0x30];
	s23 =	sadd.s32 $0x80, s23;
	v5 =	vadd.f32 $5.000000000e+00, v5;
	v2 =	vadd.f32 v2, v2;
	v6 =	vmax.f32 v6, $0.0e+00;
	[tilespmem:s22+$0x20] =	vst v9  }
0xa7: {  	v9 =	vld [tilespmem:s24+$0xFFFFFFD0];
	p0 =	slt.u32 s23, $0x380;
	v8 =	vadd.f32 $5.000000000e+00, v8;
	v3 =	vadd.f32 v3, v3;
	v7 =	vmax.f32 v7, $0.0e+00;
	[tilespmem:s22+$0xFFFFFFC0] =	vst v6;
	s22 =	smov.u32 s21;
	s21 =	smov.u32 s24  }
0xa8: {  	v11 =	vld [tilespmem:s24+$0xFFFFFFE0];
	v5 =	vmax.f32 v5, $0.0e+00;
	v6 =	vadd.f32 $5.000000000e+00, v2;
	v0 =	vadd.f32 v0, v0;
	[tilespmem:s22+$0x30] =	vst v7  }
.Ltmp4:
0xa9: {  	v2 =	vld [tilespmem:s24+$0xFFFFFFF0];
	[tilespmem:s22+$0xFFFFFFD0] =	vst v5;
	v5 =	vmax.f32 v8, $0.0e+00;
	v7 =	vadd.f32 $5.000000000e+00, v3;
	v1 =	vadd.f32 v1, v1;
	(pc) =	sbr.rel @p0 .LBB2_11-.Ltmp4, $4  }
0xaa: {  	v3 =	vld [tilespmem:s24+$0x0];
	v4 =	vadd.f32 v4, v4;
	[tilespmem:s22+$0xFFFFFFE0] =	vst v5;
	v5 =	vmax.f32 v6, $0.0e+00;
	v8 =	vadd.f32 $5.000000000e+00, v0  }
0xab: {  	v0 =	vld [tilespmem:s24+$0x10];
	v10 =	vadd.f32 v10, v10;
	[tilespmem:s22+$0xFFFFFFF0] =	vst v5;
	v7 =	vmax.f32 v7, $0.0e+00;
	v12 =	vadd.f32 $5.000000000e+00, v1  }
0xac: {  	v5 =	vadd.f32 v9, v9;
	v1 =	vld [tilespmem:s24+$0x20];
	v6 =	vadd.f32 $5.000000000e+00, v4;
	[tilespmem:s22+$0x0] =	vst v7;
	v9 =	vmax.f32 v8, $0.0e+00  }
0xad: {  	s24 =	sadd.s32 $0x400, s24;
	v4 =	vld [tilespmem:s21+$0xFFFFFFC0];
	v8 =	vadd.f32 v11, v11;
	v7 =	vadd.f32 $5.000000000e+00, v10;
	[tilespmem:s22+$0x10] =	vst v9;
	v9 =	vmax.f32 v12, $0.0e+00  }
0xae: {  	v5 =	vadd.f32 $5.000000000e+00, v5;
	v2 =	vadd.f32 v2, v2;
	v6 =	vmax.f32 v6, $0.0e+00;
	[tilespmem:s22+$0x20] =	vst v9  }
0xaf: {  	v8 =	vadd.f32 $5.000000000e+00, v8;
	v3 =	vadd.f32 v3, v3;
	v7 =	vmax.f32 v7, $0.0e+00;
	[tilespmem:s22+$0xFFFFFFC0] =	vst v6  }
0xb0: {  	v5 =	vmax.f32 v5, $0.0e+00;
	v2 =	vadd.f32 $5.000000000e+00, v2;
	v0 =	vadd.f32 v0, v0;
	[tilespmem:s21+$0x30] =	vst v7  }
0xb1: {  	s20 =	sadd.s32 $0x1, s20;
	[tilespmem:s21+$0xFFFFFFD0] =	vst v5;
	v59 =	vmax.f32 v8, $0.0e+00;
	v3 =	vadd.f32 $5.000000000e+00, v3;
	v1 =	vadd.f32 v1, v1  }
0xb2: {  	p0 =	sne.s32 s20, $0x10;
	v4 =	vadd.f32 v4, v4;
	[tilespmem:s21+$0xFFFFFFE0] =	vst v59;
	v2 =	vmax.f32 v2, $0.0e+00;
	v0 =	vadd.f32 $5.000000000e+00, v0  }
.Ltmp5:
0xb3: {  	[tilespmem:s21+$0xFFFFFFF0] =	vst v2;
	v60 =	vmax.f32 v3, $0.0e+00;
	v1 =	vadd.f32 $5.000000000e+00, v1;
	(pc) =	sbr.rel @p0 .LBB2_10-.Ltmp5, $4  }
0xb4: {  	v61 =	vadd.f32 $5.000000000e+00, v4;
	[tilespmem:s21+$0x0] =	vst v60;
	v0 =	vmax.f32 v0, $0.0e+00  }
0xb5: {  	[tilespmem:s21+$0x10] =	vst v0;
	v62 =	vmax.f32 v1, $0.0e+00  }
0xb6: {  	v63 =	vmax.f32 v61, $0.0e+00;
	[tilespmem:s21+$0x20] =	vst v62  }
0xb7: {  	s19 =	sadd.s32 $0x400, s19;
	s18 =	sadd.s32 $0x1, s18;
	[tilespmem:s21+$0xFFFFFFC0] =	vst v63  }
0xb8: {  	s18 =	simm.s32 $0x0;
	s19 =	rddreg [dreg:$0xe]  }
0xb9: {  	[hbm4b:s19+s18] =	stream.linear.scatter [tilespmem:s30], [sflag:$0xA], $0x4000, $0x38;
	[tilespmem:$0x1C000] =	vst v63  }
0xba: {  	_ =	swait.ge [sflag:s7], $0x4000  }
0xbb: {  	[sflag:s7] =	ssyncset.done $0x0  }
0xbc: {  	s24 =	rddreg [dreg:$0xf];
	[sflag:s7] =	ssyncadd.s32 $0xFFFFC000  }
0xbd: {  	[tilespmem:s30], [sflag:$0x3] =	stream.linear.gather [hbm4b:s24+s18], $0x4000, $0x38;
	[tilespmem:$0x1C000] =	vst v63  }
0xbe: {  	_ =	swait.ge [sflag:s8], $0x4000  }
0xbf: {  	[sflag:s8] =	ssyncset.done $0x0  }
0xc0: {  	s20 =	simm.s32 $0x0;
	s19 =	simm.s32 $0x0;
	[sflag:s8] =	ssyncadd.s32 $0xFFFFC000  }
.LBB2_14:
0xc1: {  	s21 =	sshll.u32 s19, $0x2;
	s22 =	sand.u32 $0x7, s18  }
0xc2: {  	s21 =	sand.u32 $0xFFFF8000, s21;
	s22 =	sshll.u32 s22, $0x9  }
0xc3: {  	s21 =	sor.u32 s22, s21  }
0xc4: {  	s21 =	sshrl.u32 s21, $0x2  }
0xc5: {  	s22 =	sadd.s32 $0xC040, s21  }
0xc6: {  	v0 =	vld [tilespmem:s22+$0x30]  }
0xc7: {  	v1 =	vld [tilespmem:s22+$0xFFFFFFD0]  }
0xc8: {  	v2 =	vld [tilespmem:s22+$0xFFFFFFE0]  }
0xc9: {  	v3 =	vld [tilespmem:s22+$0xFFFFFFF0]  }
0xca: {  	v4 =	vld [tilespmem:s22+$0x0]  }
0xcb: {  	v5 =	vld [tilespmem:s22+$0x10];
	v0 =	vadd.f32 v0, v0  }
0xcc: {  	v6 =	vld [tilespmem:s22+$0x20];
	v1 =	vadd.f32 v1, v1  }
0xcd: {  	v7 =	vld [tilespmem:s22+$0xFFFFFFC0];
	s21 =	sadd.s32 $0x400, s22;
	v2 =	vadd.f32 v2, v2;
	v0 =	vadd.f32 $5.000000000e+00, v0  }
0xce: {  	v8 =	vld [tilespmem:s21+$0x30];
	v3 =	vadd.f32 v3, v3;
	v1 =	vadd.f32 $5.000000000e+00, v1  }
0xcf: {  	v9 =	vld [tilespmem:s21+$0xFFFFFFD0];
	v4 =	vadd.f32 v4, v4;
	v10 =	vadd.f32 $5.000000000e+00, v2;
	v0 =	vmax.f32 v0, $0.0e+00  }
0xd0: {  	v11 =	vld [tilespmem:s21+$0xFFFFFFE0];
	v5 =	vadd.f32 v5, v5;
	v12 =	vadd.f32 $5.000000000e+00, v3;
	v1 =	vmax.f32 v1, $0.0e+00;
	[tilespmem:s22+$0x30] =	vst v0  }
0xd1: {  	v2 =	vld [tilespmem:s21+$0xFFFFFFF0];
	[tilespmem:s22+$0xFFFFFFD0] =	vst v1;
	v0 =	vmax.f32 v10, $0.0e+00;
	v1 =	vadd.f32 $5.000000000e+00, v4;
	v4 =	vadd.f32 v6, v6  }
0xd2: {  	v3 =	vld [tilespmem:s21+$0x0];
	v6 =	vadd.f32 v7, v7;
	v7 =	vmax.f32 v12, $0.0e+00;
	v10 =	vadd.f32 $5.000000000e+00, v5;
	[tilespmem:s22+$0xFFFFFFE0] =	vst v0  }
0xd3: {  	v63 =	vadd.f32 v8, v8;
	v0 =	vld [tilespmem:s21+$0x10];
	[tilespmem:s22+$0xFFFFFFF0] =	vst v7;
	v7 =	vmax.f32 v1, $0.0e+00;
	v13 =	vadd.f32 $5.000000000e+00, v4  }
0xd4: {  	v5 =	vadd.f32 v9, v9;
	v1 =	vld [tilespmem:s21+$0x20];
	v6 =	vadd.f32 $5.000000000e+00, v6;
	v9 =	vmax.f32 v10, $0.0e+00;
	[tilespmem:s22+$0x0] =	vst v7  }
0xd5: {  	s23 =	simm.s32 $0x80;
	s24 =	sadd.s32 $0x400, s21;
	v8 =	vadd.f32 v11, v11;
	v4 =	vld [tilespmem:s21+$0xFFFFFFC0];
	v7 =	vadd.f32 $5.000000000e+00, v63;
	[tilespmem:s22+$0x10] =	vst v9;
	v9 =	vmax.f32 v13, $0.0e+00  }
.LBB2_15:
0xd6: {  	v10 =	vld [tilespmem:s24+$0x30];
	s23 =	sadd.s32 $0x80, s23;
	v5 =	vadd.f32 $5.000000000e+00, v5;
	v2 =	vadd.f32 v2, v2;
	v6 =	vmax.f32 v6, $0.0e+00;
	[tilespmem:s22+$0x20] =	vst v9  }
0xd7: {  	v9 =	vld [tilespmem:s24+$0xFFFFFFD0];
	p0 =	slt.u32 s23, $0x380;
	v8 =	vadd.f32 $5.000000000e+00, v8;
	v3 =	vadd.f32 v3, v3;
	v7 =	vmax.f32 v7, $0.0e+00;
	[tilespmem:s22+$0xFFFFFFC0] =	vst v6;
	s22 =	smov.u32 s21;
	s21 =	smov.u32 s24  }
0xd8: {  	v11 =	vld [tilespmem:s24+$0xFFFFFFE0];
	v5 =	vmax.f32 v5, $0.0e+00;
	v6 =	vadd.f32 $5.000000000e+00, v2;
	v0 =	vadd.f32 v0, v0;
	[tilespmem:s22+$0x30] =	vst v7  }
.Ltmp6:
0xd9: {  	v2 =	vld [tilespmem:s24+$0xFFFFFFF0];
	[tilespmem:s22+$0xFFFFFFD0] =	vst v5;
	v5 =	vmax.f32 v8, $0.0e+00;
	v7 =	vadd.f32 $5.000000000e+00, v3;
	v1 =	vadd.f32 v1, v1;
	(pc) =	sbr.rel @p0 .LBB2_15-.Ltmp6, $4  }
0xda: {  	v3 =	vld [tilespmem:s24+$0x0];
	v4 =	vadd.f32 v4, v4;
	[tilespmem:s22+$0xFFFFFFE0] =	vst v5;
	v5 =	vmax.f32 v6, $0.0e+00;
	v8 =	vadd.f32 $5.000000000e+00, v0  }
0xdb: {  	v0 =	vld [tilespmem:s24+$0x10];
	v10 =	vadd.f32 v10, v10;
	[tilespmem:s22+$0xFFFFFFF0] =	vst v5;
	v7 =	vmax.f32 v7, $0.0e+00;
	v12 =	vadd.f32 $5.000000000e+00, v1  }
0xdc: {  	v5 =	vadd.f32 v9, v9;
	v1 =	vld [tilespmem:s24+$0x20];
	v6 =	vadd.f32 $5.000000000e+00, v4;
	[tilespmem:s22+$0x0] =	vst v7;
	v9 =	vmax.f32 v8, $0.0e+00  }
0xdd: {  	s24 =	sadd.s32 $0x400, s24;
	v4 =	vld [tilespmem:s21+$0xFFFFFFC0];
	v8 =	vadd.f32 v11, v11;
	v7 =	vadd.f32 $5.000000000e+00, v10;
	[tilespmem:s22+$0x10] =	vst v9;
	v9 =	vmax.f32 v12, $0.0e+00  }
0xde: {  	v5 =	vadd.f32 $5.000000000e+00, v5;
	v2 =	vadd.f32 v2, v2;
	v6 =	vmax.f32 v6, $0.0e+00;
	[tilespmem:s22+$0x20] =	vst v9  }
0xdf: {  	v8 =	vadd.f32 $5.000000000e+00, v8;
	v3 =	vadd.f32 v3, v3;
	v7 =	vmax.f32 v7, $0.0e+00;
	[tilespmem:s22+$0xFFFFFFC0] =	vst v6  }
0xe0: {  	v5 =	vmax.f32 v5, $0.0e+00;
	v2 =	vadd.f32 $5.000000000e+00, v2;
	v0 =	vadd.f32 v0, v0;
	[tilespmem:s21+$0x30] =	vst v7  }
0xe1: {  	s20 =	sadd.s32 $0x1, s20;
	[tilespmem:s21+$0xFFFFFFD0] =	vst v5;
	v59 =	vmax.f32 v8, $0.0e+00;
	v3 =	vadd.f32 $5.000000000e+00, v3;
	v1 =	vadd.f32 v1, v1  }
0xe2: {  	p0 =	sne.s32 s20, $0x10;
	v4 =	vadd.f32 v4, v4;
	[tilespmem:s21+$0xFFFFFFE0] =	vst v59;
	v2 =	vmax.f32 v2, $0.0e+00;
	v0 =	vadd.f32 $5.000000000e+00, v0  }
.Ltmp7:
0xe3: {  	[tilespmem:s21+$0xFFFFFFF0] =	vst v2;
	v60 =	vmax.f32 v3, $0.0e+00;
	v1 =	vadd.f32 $5.000000000e+00, v1;
	(pc) =	sbr.rel @p0 .LBB2_14-.Ltmp7, $4  }
0xe4: {  	v61 =	vadd.f32 $5.000000000e+00, v4;
	[tilespmem:s21+$0x0] =	vst v60;
	v0 =	vmax.f32 v0, $0.0e+00  }
0xe5: {  	[tilespmem:s21+$0x10] =	vst v0;
	v62 =	vmax.f32 v1, $0.0e+00  }
0xe6: {  	v63 =	vmax.f32 v61, $0.0e+00;
	[tilespmem:s21+$0x20] =	vst v62  }
0xe7: {  	s19 =	sadd.s32 $0x400, s19;
	s18 =	sadd.s32 $0x1, s18;
	[tilespmem:s21+$0xFFFFFFC0] =	vst v63  }
0xe8: {  	s18 =	simm.s32 $0x0;
	s19 =	rddreg [dreg:$0x10]  }
0xe9: {  	[hbm4b:s19+s18] =	stream.linear.scatter [tilespmem:s31], [sflag:$0xB], $0x4000, $0x38;
	[tilespmem:$0x1C000] =	vst v63  }
0xea: {  	_ =	swait.ge [sflag:s9], $0x4000  }
0xeb: {  	[sflag:s9] =	ssyncset.done $0x0  }
0xec: {  	[sflag:s9] =	ssyncadd.s32 $0xFFFFC000  }
0xed: {  	[tilespmem:s31], [sflag:$0x4] =	stream.linear.gather [hbm4b:s26+s18], $0x4000, $0x38;
	[tilespmem:$0x1C000] =	vst v63  }
0xee: {  	_ =	swait.ge [sflag:s10], $0x4000  }
0xef: {  	[sflag:s10] =	ssyncset.done $0x0  }
0xf0: {  	s20 =	simm.s32 $0x0;
	s19 =	simm.s32 $0x0;
	[sflag:s10] =	ssyncadd.s32 $0xFFFFC000  }
.LBB2_18:
0xf1: {  	s21 =	sshll.u32 s19, $0x2;
	s22 =	sand.u32 $0x7, s18  }
0xf2: {  	s21 =	sand.u32 $0xFFFF8000, s21;
	s22 =	sshll.u32 s22, $0x9  }
0xf3: {  	s21 =	sor.u32 s22, s21  }
0xf4: {  	s21 =	sshrl.u32 s21, $0x2  }
0xf5: {  	s22 =	sadd.s32 $0x10040, s21  }
0xf6: {  	v0 =	vld [tilespmem:s22+$0x30]  }
0xf7: {  	v1 =	vld [tilespmem:s22+$0xFFFFFFD0]  }
0xf8: {  	v2 =	vld [tilespmem:s22+$0xFFFFFFE0]  }
0xf9: {  	v3 =	vld [tilespmem:s22+$0xFFFFFFF0]  }
0xfa: {  	v4 =	vld [tilespmem:s22+$0x0]  }
0xfb: {  	v5 =	vld [tilespmem:s22+$0x10];
	v0 =	vadd.f32 v0, v0  }
0xfc: {  	v6 =	vld [tilespmem:s22+$0x20];
	v1 =	vadd.f32 v1, v1  }
0xfd: {  	v7 =	vld [tilespmem:s22+$0xFFFFFFC0];
	s21 =	sadd.s32 $0x400, s22;
	v2 =	vadd.f32 v2, v2;
	v0 =	vadd.f32 $5.000000000e+00, v0  }
0xfe: {  	v8 =	vld [tilespmem:s21+$0x30];
	v3 =	vadd.f32 v3, v3;
	v1 =	vadd.f32 $5.000000000e+00, v1  }
0xff: {  	v9 =	vld [tilespmem:s21+$0xFFFFFFD0];
	v4 =	vadd.f32 v4, v4;
	v10 =	vadd.f32 $5.000000000e+00, v2;
	v0 =	vmax.f32 v0, $0.0e+00  }
0x100: {  	v11 =	vld [tilespmem:s21+$0xFFFFFFE0];
	v5 =	vadd.f32 v5, v5;
	v12 =	vadd.f32 $5.000000000e+00, v3;
	v1 =	vmax.f32 v1, $0.0e+00;
	[tilespmem:s22+$0x30] =	vst v0  }
0x101: {  	v2 =	vld [tilespmem:s21+$0xFFFFFFF0];
	[tilespmem:s22+$0xFFFFFFD0] =	vst v1;
	v0 =	vmax.f32 v10, $0.0e+00;
	v1 =	vadd.f32 $5.000000000e+00, v4;
	v4 =	vadd.f32 v6, v6  }
0x102: {  	v3 =	vld [tilespmem:s21+$0x0];
	v6 =	vadd.f32 v7, v7;
	v7 =	vmax.f32 v12, $0.0e+00;
	v10 =	vadd.f32 $5.000000000e+00, v5;
	[tilespmem:s22+$0xFFFFFFE0] =	vst v0  }
0x103: {  	v63 =	vadd.f32 v8, v8;
	v0 =	vld [tilespmem:s21+$0x10];
	[tilespmem:s22+$0xFFFFFFF0] =	vst v7;
	v7 =	vmax.f32 v1, $0.0e+00;
	v13 =	vadd.f32 $5.000000000e+00, v4  }
0x104: {  	v5 =	vadd.f32 v9, v9;
	v1 =	vld [tilespmem:s21+$0x20];
	v6 =	vadd.f32 $5.000000000e+00, v6;
	v9 =	vmax.f32 v10, $0.0e+00;
	[tilespmem:s22+$0x0] =	vst v7  }
0x105: {  	s23 =	simm.s32 $0x80;
	s24 =	sadd.s32 $0x400, s21;
	v8 =	vadd.f32 v11, v11;
	v4 =	vld [tilespmem:s21+$0xFFFFFFC0];
	v7 =	vadd.f32 $5.000000000e+00, v63;
	[tilespmem:s22+$0x10] =	vst v9;
	v9 =	vmax.f32 v13, $0.0e+00  }
.LBB2_19:
0x106: {  	v10 =	vld [tilespmem:s24+$0x30];
	s23 =	sadd.s32 $0x80, s23;
	v5 =	vadd.f32 $5.000000000e+00, v5;
	v2 =	vadd.f32 v2, v2;
	v6 =	vmax.f32 v6, $0.0e+00;
	[tilespmem:s22+$0x20] =	vst v9  }
0x107: {  	v9 =	vld [tilespmem:s24+$0xFFFFFFD0];
	p0 =	slt.u32 s23, $0x380;
	v8 =	vadd.f32 $5.000000000e+00, v8;
	v3 =	vadd.f32 v3, v3;
	v7 =	vmax.f32 v7, $0.0e+00;
	[tilespmem:s22+$0xFFFFFFC0] =	vst v6;
	s22 =	smov.u32 s21;
	s21 =	smov.u32 s24  }
0x108: {  	v11 =	vld [tilespmem:s24+$0xFFFFFFE0];
	v5 =	vmax.f32 v5, $0.0e+00;
	v6 =	vadd.f32 $5.000000000e+00, v2;
	v0 =	vadd.f32 v0, v0;
	[tilespmem:s22+$0x30] =	vst v7  }
.Ltmp8:
0x109: {  	v2 =	vld [tilespmem:s24+$0xFFFFFFF0];
	[tilespmem:s22+$0xFFFFFFD0] =	vst v5;
	v5 =	vmax.f32 v8, $0.0e+00;
	v7 =	vadd.f32 $5.000000000e+00, v3;
	v1 =	vadd.f32 v1, v1;
	(pc) =	sbr.rel @p0 .LBB2_19-.Ltmp8, $4  }
0x10a: {  	v3 =	vld [tilespmem:s24+$0x0];
	v4 =	vadd.f32 v4, v4;
	[tilespmem:s22+$0xFFFFFFE0] =	vst v5;
	v5 =	vmax.f32 v6, $0.0e+00;
	v8 =	vadd.f32 $5.000000000e+00, v0  }
0x10b: {  	v0 =	vld [tilespmem:s24+$0x10];
	v10 =	vadd.f32 v10, v10;
	[tilespmem:s22+$0xFFFFFFF0] =	vst v5;
	v7 =	vmax.f32 v7, $0.0e+00;
	v12 =	vadd.f32 $5.000000000e+00, v1  }
0x10c: {  	v5 =	vadd.f32 v9, v9;
	v1 =	vld [tilespmem:s24+$0x20];
	v6 =	vadd.f32 $5.000000000e+00, v4;
	[tilespmem:s22+$0x0] =	vst v7;
	v9 =	vmax.f32 v8, $0.0e+00  }
0x10d: {  	s24 =	sadd.s32 $0x400, s24;
	v4 =	vld [tilespmem:s21+$0xFFFFFFC0];
	v8 =	vadd.f32 v11, v11;
	v7 =	vadd.f32 $5.000000000e+00, v10;
	[tilespmem:s22+$0x10] =	vst v9;
	v9 =	vmax.f32 v12, $0.0e+00  }
0x10e: {  	v5 =	vadd.f32 $5.000000000e+00, v5;
	v2 =	vadd.f32 v2, v2;
	v6 =	vmax.f32 v6, $0.0e+00;
	[tilespmem:s22+$0x20] =	vst v9  }
0x10f: {  	v8 =	vadd.f32 $5.000000000e+00, v8;
	v3 =	vadd.f32 v3, v3;
	v7 =	vmax.f32 v7, $0.0e+00;
	[tilespmem:s22+$0xFFFFFFC0] =	vst v6  }
0x110: {  	v5 =	vmax.f32 v5, $0.0e+00;
	v2 =	vadd.f32 $5.000000000e+00, v2;
	v0 =	vadd.f32 v0, v0;
	[tilespmem:s21+$0x30] =	vst v7  }
0x111: {  	s20 =	sadd.s32 $0x1, s20;
	[tilespmem:s21+$0xFFFFFFD0] =	vst v5;
	v59 =	vmax.f32 v8, $0.0e+00;
	v3 =	vadd.f32 $5.000000000e+00, v3;
	v1 =	vadd.f32 v1, v1  }
0x112: {  	p0 =	sne.s32 s20, $0x10;
	v4 =	vadd.f32 v4, v4;
	[tilespmem:s21+$0xFFFFFFE0] =	vst v59;
	v2 =	vmax.f32 v2, $0.0e+00;
	v0 =	vadd.f32 $5.000000000e+00, v0  }
.Ltmp9:
0x113: {  	[tilespmem:s21+$0xFFFFFFF0] =	vst v2;
	v60 =	vmax.f32 v3, $0.0e+00;
	v1 =	vadd.f32 $5.000000000e+00, v1;
	(pc) =	sbr.rel @p0 .LBB2_18-.Ltmp9, $4  }
0x114: {  	v61 =	vadd.f32 $5.000000000e+00, v4;
	[tilespmem:s21+$0x0] =	vst v60;
	v0 =	vmax.f32 v0, $0.0e+00  }
0x115: {  	[tilespmem:s21+$0x10] =	vst v0;
	v62 =	vmax.f32 v1, $0.0e+00  }
0x116: {  	v63 =	vmax.f32 v61, $0.0e+00;
	[tilespmem:s21+$0x20] =	vst v62  }
0x117: {  	s19 =	sadd.s32 $0x400, s19;
	s18 =	sadd.s32 $0x1, s18;
	[tilespmem:s21+$0xFFFFFFC0] =	vst v63  }
0x118: {  	s18 =	simm.s32 $0x0;
	s19 =	rddreg [dreg:$0x11]  }
0x119: {  	[hbm4b:s19+s18] =	stream.linear.scatter [tilespmem:s0], [sflag:$0xC], $0x4000, $0x38;
	[tilespmem:$0x1C000] =	vst v63  }
0x11a: {  	_ =	swait.ge [sflag:s11], $0x4000  }
0x11b: {  	[sflag:s11] =	ssyncset.done $0x0  }
0x11c: {  	[sflag:s11] =	ssyncadd.s32 $0xFFFFC000  }
0x11d: {  	[tilespmem:s0], [sflag:$0x5] =	stream.linear.gather [hbm4b:s28+s18], $0x4000, $0x38;
	[tilespmem:$0x1C000] =	vst v63  }
0x11e: {  	_ =	swait.ge [sflag:s12], $0x4000  }
0x11f: {  	[sflag:s12] =	ssyncset.done $0x0  }
0x120: {  	s20 =	simm.s32 $0x0;
	s19 =	simm.s32 $0x0;
	[sflag:s12] =	ssyncadd.s32 $0xFFFFC000  }
.LBB2_22:
0x121: {  	s21 =	sshll.u32 s19, $0x2;
	s22 =	sand.u32 $0x7, s18  }
0x122: {  	s21 =	sand.u32 $0xFFFF8000, s21;
	s22 =	sshll.u32 s22, $0x9  }
0x123: {  	s21 =	sor.u32 s22, s21  }
0x124: {  	s21 =	sshrl.u32 s21, $0x2  }
0x125: {  	s22 =	sadd.s32 $0x14040, s21  }
0x126: {  	v0 =	vld [tilespmem:s22+$0x30]  }
0x127: {  	v1 =	vld [tilespmem:s22+$0xFFFFFFD0]  }
0x128: {  	v2 =	vld [tilespmem:s22+$0xFFFFFFE0]  }
0x129: {  	v3 =	vld [tilespmem:s22+$0xFFFFFFF0]  }
0x12a: {  	v4 =	vld [tilespmem:s22+$0x0]  }
0x12b: {  	v5 =	vld [tilespmem:s22+$0x10];
	v0 =	vadd.f32 v0, v0  }
0x12c: {  	v6 =	vld [tilespmem:s22+$0x20];
	v1 =	vadd.f32 v1, v1  }
0x12d: {  	v7 =	vld [tilespmem:s22+$0xFFFFFFC0];
	s21 =	sadd.s32 $0x400, s22;
	v2 =	vadd.f32 v2, v2;
	v0 =	vadd.f32 $5.000000000e+00, v0  }
0x12e: {  	v8 =	vld [tilespmem:s21+$0x30];
	v3 =	vadd.f32 v3, v3;
	v1 =	vadd.f32 $5.000000000e+00, v1  }
0x12f: {  	v9 =	vld [tilespmem:s21+$0xFFFFFFD0];
	v4 =	vadd.f32 v4, v4;
	v10 =	vadd.f32 $5.000000000e+00, v2;
	v0 =	vmax.f32 v0, $0.0e+00  }
0x130: {  	v11 =	vld [tilespmem:s21+$0xFFFFFFE0];
	v5 =	vadd.f32 v5, v5;
	v12 =	vadd.f32 $5.000000000e+00, v3;
	v1 =	vmax.f32 v1, $0.0e+00;
	[tilespmem:s22+$0x30] =	vst v0  }
0x131: {  	v2 =	vld [tilespmem:s21+$0xFFFFFFF0];
	[tilespmem:s22+$0xFFFFFFD0] =	vst v1;
	v0 =	vmax.f32 v10, $0.0e+00;
	v1 =	vadd.f32 $5.000000000e+00, v4;
	v4 =	vadd.f32 v6, v6  }
0x132: {  	v3 =	vld [tilespmem:s21+$0x0];
	v6 =	vadd.f32 v7, v7;
	v7 =	vmax.f32 v12, $0.0e+00;
	v10 =	vadd.f32 $5.000000000e+00, v5;
	[tilespmem:s22+$0xFFFFFFE0] =	vst v0  }
0x133: {  	v63 =	vadd.f32 v8, v8;
	v0 =	vld [tilespmem:s21+$0x10];
	[tilespmem:s22+$0xFFFFFFF0] =	vst v7;
	v7 =	vmax.f32 v1, $0.0e+00;
	v13 =	vadd.f32 $5.000000000e+00, v4  }
0x134: {  	v5 =	vadd.f32 v9, v9;
	v1 =	vld [tilespmem:s21+$0x20];
	v6 =	vadd.f32 $5.000000000e+00, v6;
	v9 =	vmax.f32 v10, $0.0e+00;
	[tilespmem:s22+$0x0] =	vst v7  }
0x135: {  	s23 =	simm.s32 $0x80;
	s24 =	sadd.s32 $0x400, s21;
	v8 =	vadd.f32 v11, v11;
	v4 =	vld [tilespmem:s21+$0xFFFFFFC0];
	v7 =	vadd.f32 $5.000000000e+00, v63;
	[tilespmem:s22+$0x10] =	vst v9;
	v9 =	vmax.f32 v13, $0.0e+00  }
.LBB2_23:
0x136: {  	v10 =	vld [tilespmem:s24+$0x30];
	s23 =	sadd.s32 $0x80, s23;
	v5 =	vadd.f32 $5.000000000e+00, v5;
	v2 =	vadd.f32 v2, v2;
	v6 =	vmax.f32 v6, $0.0e+00;
	[tilespmem:s22+$0x20] =	vst v9  }
0x137: {  	v9 =	vld [tilespmem:s24+$0xFFFFFFD0];
	p0 =	slt.u32 s23, $0x380;
	v8 =	vadd.f32 $5.000000000e+00, v8;
	v3 =	vadd.f32 v3, v3;
	v7 =	vmax.f32 v7, $0.0e+00;
	[tilespmem:s22+$0xFFFFFFC0] =	vst v6;
	s22 =	smov.u32 s21;
	s21 =	smov.u32 s24  }
0x138: {  	v11 =	vld [tilespmem:s24+$0xFFFFFFE0];
	v5 =	vmax.f32 v5, $0.0e+00;
	v6 =	vadd.f32 $5.000000000e+00, v2;
	v0 =	vadd.f32 v0, v0;
	[tilespmem:s22+$0x30] =	vst v7  }
.Ltmp10:
0x139: {  	v2 =	vld [tilespmem:s24+$0xFFFFFFF0];
	[tilespmem:s22+$0xFFFFFFD0] =	vst v5;
	v5 =	vmax.f32 v8, $0.0e+00;
	v7 =	vadd.f32 $5.000000000e+00, v3;
	v1 =	vadd.f32 v1, v1;
	(pc) =	sbr.rel @p0 .LBB2_23-.Ltmp10, $4  }
0x13a: {  	v3 =	vld [tilespmem:s24+$0x0];
	v4 =	vadd.f32 v4, v4;
	[tilespmem:s22+$0xFFFFFFE0] =	vst v5;
	v5 =	vmax.f32 v6, $0.0e+00;
	v8 =	vadd.f32 $5.000000000e+00, v0  }
0x13b: {  	v0 =	vld [tilespmem:s24+$0x10];
	v10 =	vadd.f32 v10, v10;
	[tilespmem:s22+$0xFFFFFFF0] =	vst v5;
	v7 =	vmax.f32 v7, $0.0e+00;
	v12 =	vadd.f32 $5.000000000e+00, v1  }
0x13c: {  	v5 =	vadd.f32 v9, v9;
	v1 =	vld [tilespmem:s24+$0x20];
	v6 =	vadd.f32 $5.000000000e+00, v4;
	[tilespmem:s22+$0x0] =	vst v7;
	v9 =	vmax.f32 v8, $0.0e+00  }
0x13d: {  	s24 =	sadd.s32 $0x400, s24;
	v4 =	vld [tilespmem:s21+$0xFFFFFFC0];
	v8 =	vadd.f32 v11, v11;
	v7 =	vadd.f32 $5.000000000e+00, v10;
	[tilespmem:s22+$0x10] =	vst v9;
	v9 =	vmax.f32 v12, $0.0e+00  }
0x13e: {  	v5 =	vadd.f32 $5.000000000e+00, v5;
	v2 =	vadd.f32 v2, v2;
	v6 =	vmax.f32 v6, $0.0e+00;
	[tilespmem:s22+$0x20] =	vst v9  }
0x13f: {  	v8 =	vadd.f32 $5.000000000e+00, v8;
	v3 =	vadd.f32 v3, v3;
	v7 =	vmax.f32 v7, $0.0e+00;
	[tilespmem:s22+$0xFFFFFFC0] =	vst v6  }
0x140: {  	v5 =	vmax.f32 v5, $0.0e+00;
	v2 =	vadd.f32 $5.000000000e+00, v2;
	v0 =	vadd.f32 v0, v0;
	[tilespmem:s21+$0x30] =	vst v7  }
0x141: {  	s20 =	sadd.s32 $0x1, s20;
	[tilespmem:s21+$0xFFFFFFD0] =	vst v5;
	v59 =	vmax.f32 v8, $0.0e+00;
	v3 =	vadd.f32 $5.000000000e+00, v3;
	v1 =	vadd.f32 v1, v1  }
0x142: {  	p0 =	sne.s32 s20, $0x10;
	v4 =	vadd.f32 v4, v4;
	[tilespmem:s21+$0xFFFFFFE0] =	vst v59;
	v2 =	vmax.f32 v2, $0.0e+00;
	v0 =	vadd.f32 $5.000000000e+00, v0  }
.Ltmp11:
0x143: {  	[tilespmem:s21+$0xFFFFFFF0] =	vst v2;
	v60 =	vmax.f32 v3, $0.0e+00;
	v1 =	vadd.f32 $5.000000000e+00, v1;
	(pc) =	sbr.rel @p0 .LBB2_22-.Ltmp11, $4  }
0x144: {  	v61 =	vadd.f32 $5.000000000e+00, v4;
	[tilespmem:s21+$0x0] =	vst v60;
	v0 =	vmax.f32 v0, $0.0e+00  }
0x145: {  	[tilespmem:s21+$0x10] =	vst v0;
	v62 =	vmax.f32 v1, $0.0e+00  }
0x146: {  	v63 =	vmax.f32 v61, $0.0e+00;
	[tilespmem:s21+$0x20] =	vst v62  }
0x147: {  	s19 =	sadd.s32 $0x400, s19;
	s18 =	sadd.s32 $0x1, s18;
	[tilespmem:s21+$0xFFFFFFC0] =	vst v63  }
0x148: {  	s18 =	simm.s32 $0x0;
	s19 =	rddreg [dreg:$0x12];
	s20 =	simm.s32 $0x14000  }
0x149: {  	[hbm4b:s19+s18] =	stream.linear.scatter [tilespmem:s20], [sflag:$0xD], $0x4000, $0x38;
	[tilespmem:$0x1C000] =	vst v63  }
0x14a: {  	_ =	swait.ge [sflag:s14], $0x4000  }
0x14b: {  	[sflag:s14] =	ssyncset.done $0x0  }
0x14c: {  	s19 =	simm.s32 $0x0;
	s20 =	simm.s32 $0x0;
	[sflag:s14] =	ssyncadd.s32 $0xFFFFC000  }
.LBB2_26:
0x14d: {  	s21 =	sshll.u32 s19, $0x2;
	s22 =	sand.u32 $0x7, s18  }
0x14e: {  	s21 =	sand.u32 $0xFFFF8000, s21;
	s22 =	sshll.u32 s22, $0x9  }
0x14f: {  	s21 =	sor.u32 s22, s21  }
0x150: {  	s21 =	sshrl.u32 s21, $0x2  }
0x151: {  	s22 =	sadd.s32 $0x18040, s21  }
0x152: {  	v0 =	vld [tilespmem:s22+$0x30]  }
0x153: {  	v1 =	vld [tilespmem:s22+$0xFFFFFFD0]  }
0x154: {  	v2 =	vld [tilespmem:s22+$0xFFFFFFE0]  }
0x155: {  	v3 =	vld [tilespmem:s22+$0xFFFFFFF0]  }
0x156: {  	v4 =	vld [tilespmem:s22+$0x0]  }
0x157: {  	v5 =	vld [tilespmem:s22+$0x10];
	v0 =	vadd.f32 v0, v0  }
0x158: {  	v6 =	vld [tilespmem:s22+$0x20];
	v1 =	vadd.f32 v1, v1  }
0x159: {  	v7 =	vld [tilespmem:s22+$0xFFFFFFC0];
	s21 =	sadd.s32 $0x400, s22;
	v2 =	vadd.f32 v2, v2;
	v0 =	vadd.f32 $5.000000000e+00, v0  }
0x15a: {  	v8 =	vld [tilespmem:s21+$0x30];
	v3 =	vadd.f32 v3, v3;
	v1 =	vadd.f32 $5.000000000e+00, v1  }
0x15b: {  	v9 =	vld [tilespmem:s21+$0xFFFFFFD0];
	v4 =	vadd.f32 v4, v4;
	v10 =	vadd.f32 $5.000000000e+00, v2;
	v0 =	vmax.f32 v0, $0.0e+00  }
0x15c: {  	v11 =	vld [tilespmem:s21+$0xFFFFFFE0];
	v5 =	vadd.f32 v5, v5;
	v12 =	vadd.f32 $5.000000000e+00, v3;
	v1 =	vmax.f32 v1, $0.0e+00;
	[tilespmem:s22+$0x30] =	vst v0  }
0x15d: {  	v2 =	vld [tilespmem:s21+$0xFFFFFFF0];
	[tilespmem:s22+$0xFFFFFFD0] =	vst v1;
	v0 =	vmax.f32 v10, $0.0e+00;
	v1 =	vadd.f32 $5.000000000e+00, v4;
	v4 =	vadd.f32 v6, v6  }
0x15e: {  	v3 =	vld [tilespmem:s21+$0x0];
	v6 =	vadd.f32 v7, v7;
	v7 =	vmax.f32 v12, $0.0e+00;
	v10 =	vadd.f32 $5.000000000e+00, v5;
	[tilespmem:s22+$0xFFFFFFE0] =	vst v0  }
0x15f: {  	v63 =	vadd.f32 v8, v8;
	v0 =	vld [tilespmem:s21+$0x10];
	[tilespmem:s22+$0xFFFFFFF0] =	vst v7;
	v7 =	vmax.f32 v1, $0.0e+00;
	v13 =	vadd.f32 $5.000000000e+00, v4  }
0x160: {  	v5 =	vadd.f32 v9, v9;
	v1 =	vld [tilespmem:s21+$0x20];
	v6 =	vadd.f32 $5.000000000e+00, v6;
	v9 =	vmax.f32 v10, $0.0e+00;
	[tilespmem:s22+$0x0] =	vst v7  }
0x161: {  	s23 =	simm.s32 $0x80;
	s24 =	sadd.s32 $0x400, s21;
	v8 =	vadd.f32 v11, v11;
	v4 =	vld [tilespmem:s21+$0xFFFFFFC0];
	v7 =	vadd.f32 $5.000000000e+00, v63;
	[tilespmem:s22+$0x10] =	vst v9;
	v9 =	vmax.f32 v13, $0.0e+00  }
.LBB2_27:
0x162: {  	v10 =	vld [tilespmem:s24+$0x30];
	s23 =	sadd.s32 $0x80, s23;
	v5 =	vadd.f32 $5.000000000e+00, v5;
	v2 =	vadd.f32 v2, v2;
	v6 =	vmax.f32 v6, $0.0e+00;
	[tilespmem:s22+$0x20] =	vst v9  }
0x163: {  	v9 =	vld [tilespmem:s24+$0xFFFFFFD0];
	p0 =	slt.u32 s23, $0x380;
	v8 =	vadd.f32 $5.000000000e+00, v8;
	v3 =	vadd.f32 v3, v3;
	v7 =	vmax.f32 v7, $0.0e+00;
	[tilespmem:s22+$0xFFFFFFC0] =	vst v6;
	s22 =	smov.u32 s21;
	s21 =	smov.u32 s24  }
0x164: {  	v11 =	vld [tilespmem:s24+$0xFFFFFFE0];
	v5 =	vmax.f32 v5, $0.0e+00;
	v6 =	vadd.f32 $5.000000000e+00, v2;
	v0 =	vadd.f32 v0, v0;
	[tilespmem:s22+$0x30] =	vst v7  }
.Ltmp12:
0x165: {  	v2 =	vld [tilespmem:s24+$0xFFFFFFF0];
	[tilespmem:s22+$0xFFFFFFD0] =	vst v5;
	v5 =	vmax.f32 v8, $0.0e+00;
	v7 =	vadd.f32 $5.000000000e+00, v3;
	v1 =	vadd.f32 v1, v1;
	(pc) =	sbr.rel @p0 .LBB2_27-.Ltmp12, $4  }
0x166: {  	v3 =	vld [tilespmem:s24+$0x0];
	v4 =	vadd.f32 v4, v4;
	[tilespmem:s22+$0xFFFFFFE0] =	vst v5;
	v5 =	vmax.f32 v6, $0.0e+00;
	v8 =	vadd.f32 $5.000000000e+00, v0  }
0x167: {  	v0 =	vld [tilespmem:s24+$0x10];
	v10 =	vadd.f32 v10, v10;
	[tilespmem:s22+$0xFFFFFFF0] =	vst v5;
	v7 =	vmax.f32 v7, $0.0e+00;
	v12 =	vadd.f32 $5.000000000e+00, v1  }
0x168: {  	v5 =	vadd.f32 v9, v9;
	v1 =	vld [tilespmem:s24+$0x20];
	v6 =	vadd.f32 $5.000000000e+00, v4;
	[tilespmem:s22+$0x0] =	vst v7;
	v9 =	vmax.f32 v8, $0.0e+00  }
0x169: {  	s24 =	sadd.s32 $0x400, s24;
	v4 =	vld [tilespmem:s21+$0xFFFFFFC0];
	v8 =	vadd.f32 v11, v11;
	v7 =	vadd.f32 $5.000000000e+00, v10;
	[tilespmem:s22+$0x10] =	vst v9;
	v9 =	vmax.f32 v12, $0.0e+00  }
0x16a: {  	v5 =	vadd.f32 $5.000000000e+00, v5;
	v2 =	vadd.f32 v2, v2;
	v6 =	vmax.f32 v6, $0.0e+00;
	[tilespmem:s22+$0x20] =	vst v9  }
0x16b: {  	v8 =	vadd.f32 $5.000000000e+00, v8;
	v3 =	vadd.f32 v3, v3;
	v7 =	vmax.f32 v7, $0.0e+00;
	[tilespmem:s22+$0xFFFFFFC0] =	vst v6  }
0x16c: {  	v5 =	vmax.f32 v5, $0.0e+00;
	v2 =	vadd.f32 $5.000000000e+00, v2;
	v0 =	vadd.f32 v0, v0;
	[tilespmem:s21+$0x30] =	vst v7  }
0x16d: {  	s20 =	sadd.s32 $0x1, s20;
	[tilespmem:s21+$0xFFFFFFD0] =	vst v5;
	v59 =	vmax.f32 v8, $0.0e+00;
	v3 =	vadd.f32 $5.000000000e+00, v3;
	v1 =	vadd.f32 v1, v1  }
0x16e: {  	p0 =	sne.s32 s20, $0x10;
	v4 =	vadd.f32 v4, v4;
	[tilespmem:s21+$0xFFFFFFE0] =	vst v59;
	v2 =	vmax.f32 v2, $0.0e+00;
	v0 =	vadd.f32 $5.000000000e+00, v0  }
.Ltmp13:
0x16f: {  	[tilespmem:s21+$0xFFFFFFF0] =	vst v2;
	v60 =	vmax.f32 v3, $0.0e+00;
	v1 =	vadd.f32 $5.000000000e+00, v1;
	(pc) =	sbr.rel @p0 .LBB2_26-.Ltmp13, $4  }
0x170: {  	v61 =	vadd.f32 $5.000000000e+00, v4;
	[tilespmem:s21+$0x0] =	vst v60;
	v0 =	vmax.f32 v0, $0.0e+00  }
0x171: {  	[tilespmem:s21+$0x10] =	vst v0;
	v62 =	vmax.f32 v1, $0.0e+00  }
0x172: {  	v63 =	vmax.f32 v61, $0.0e+00;
	[tilespmem:s21+$0x20] =	vst v62  }
0x173: {  	s19 =	sadd.s32 $0x400, s19;
	s18 =	sadd.s32 $0x1, s18;
	[tilespmem:s21+$0xFFFFFFC0] =	vst v63  }
0x174: {  	s18 =	simm.s32 $0x0;
	s19 =	rddreg [dreg:$0x13];
	s20 =	simm.s32 $0x18000  }
0x175: {  	[hbm4b:s19+s18] =	stream.linear.scatter [tilespmem:s20], [sflag:$0xE], $0x4000, $0x38;
	[tilespmem:$0x1C000] =	vst v63  }
0x176: {  	_ =	swait.ge [sflag:s4], $0x4000  }
0x177: {  	[sflag:s4] =	ssyncset.done $0x0  }
0x178: {  	s19 =	simm.s32 $0x0;
	s20 =	simm.s32 $0x0;
	[sflag:s4] =	ssyncadd.s32 $0xFFFFC000  }
.LBB2_30:
0x179: {  	s21 =	sshll.u32 s19, $0x2;
	s22 =	sand.u32 $0x7, s18  }
0x17a: {  	s21 =	sand.u32 $0xFFFF8000, s21;
	s22 =	sshll.u32 s22, $0x9  }
0x17b: {  	s21 =	sor.u32 s22, s21  }
0x17c: {  	s21 =	sshrl.u32 s21, $0x2  }
0x17d: {  	s22 =	sor.u32 $0x40, s21  }
0x17e: {  	v0 =	vld [tilespmem:s22+$0x30]  }
0x17f: {  	v1 =	vld [tilespmem:s22+$0xFFFFFFD0]  }
0x180: {  	v2 =	vld [tilespmem:s22+$0xFFFFFFE0]  }
0x181: {  	v3 =	vld [tilespmem:s22+$0xFFFFFFF0]  }
0x182: {  	v4 =	vld [tilespmem:s22+$0x0]  }
0x183: {  	v5 =	vld [tilespmem:s22+$0x10];
	v0 =	vadd.f32 v0, v0  }
0x184: {  	v6 =	vld [tilespmem:s22+$0x20];
	v1 =	vadd.f32 v1, v1  }
0x185: {  	v7 =	vld [tilespmem:s22+$0xFFFFFFC0];
	s21 =	sadd.s32 $0x400, s22;
	v2 =	vadd.f32 v2, v2;
	v0 =	vadd.f32 $5.000000000e+00, v0  }
0x186: {  	v8 =	vld [tilespmem:s21+$0x30];
	v3 =	vadd.f32 v3, v3;
	v1 =	vadd.f32 $5.000000000e+00, v1  }
0x187: {  	v9 =	vld [tilespmem:s21+$0xFFFFFFD0];
	v4 =	vadd.f32 v4, v4;
	v10 =	vadd.f32 $5.000000000e+00, v2;
	v0 =	vmax.f32 v0, $0.0e+00  }
0x188: {  	v11 =	vld [tilespmem:s21+$0xFFFFFFE0];
	v5 =	vadd.f32 v5, v5;
	v12 =	vadd.f32 $5.000000000e+00, v3;
	v1 =	vmax.f32 v1, $0.0e+00;
	[tilespmem:s22+$0x30] =	vst v0  }
0x189: {  	v2 =	vld [tilespmem:s21+$0xFFFFFFF0];
	[tilespmem:s22+$0xFFFFFFD0] =	vst v1;
	v0 =	vmax.f32 v10, $0.0e+00;
	v1 =	vadd.f32 $5.000000000e+00, v4;
	v4 =	vadd.f32 v6, v6  }
0x18a: {  	v3 =	vld [tilespmem:s21+$0x0];
	v6 =	vadd.f32 v7, v7;
	v7 =	vmax.f32 v12, $0.0e+00;
	v10 =	vadd.f32 $5.000000000e+00, v5;
	[tilespmem:s22+$0xFFFFFFE0] =	vst v0  }
0x18b: {  	v63 =	vadd.f32 v8, v8;
	v0 =	vld [tilespmem:s21+$0x10];
	[tilespmem:s22+$0xFFFFFFF0] =	vst v7;
	v7 =	vmax.f32 v1, $0.0e+00;
	v13 =	vadd.f32 $5.000000000e+00, v4  }
0x18c: {  	v5 =	vadd.f32 v9, v9;
	v1 =	vld [tilespmem:s21+$0x20];
	v6 =	vadd.f32 $5.000000000e+00, v6;
	v9 =	vmax.f32 v10, $0.0e+00;
	[tilespmem:s22+$0x0] =	vst v7  }
0x18d: {  	s23 =	simm.s32 $0x80;
	s24 =	sadd.s32 $0x400, s21;
	v8 =	vadd.f32 v11, v11;
	v4 =	vld [tilespmem:s21+$0xFFFFFFC0];
	v7 =	vadd.f32 $5.000000000e+00, v63;
	[tilespmem:s22+$0x10] =	vst v9;
	v9 =	vmax.f32 v13, $0.0e+00  }
.LBB2_31:
0x18e: {  	v10 =	vld [tilespmem:s24+$0x30];
	s23 =	sadd.s32 $0x80, s23;
	v5 =	vadd.f32 $5.000000000e+00, v5;
	v2 =	vadd.f32 v2, v2;
	v6 =	vmax.f32 v6, $0.0e+00;
	[tilespmem:s22+$0x20] =	vst v9  }
0x18f: {  	v9 =	vld [tilespmem:s24+$0xFFFFFFD0];
	p0 =	slt.u32 s23, $0x380;
	v8 =	vadd.f32 $5.000000000e+00, v8;
	v3 =	vadd.f32 v3, v3;
	v7 =	vmax.f32 v7, $0.0e+00;
	[tilespmem:s22+$0xFFFFFFC0] =	vst v6;
	s22 =	smov.u32 s21;
	s21 =	smov.u32 s24  }
0x190: {  	v11 =	vld [tilespmem:s24+$0xFFFFFFE0];
	v5 =	vmax.f32 v5, $0.0e+00;
	v6 =	vadd.f32 $5.000000000e+00, v2;
	v0 =	vadd.f32 v0, v0;
	[tilespmem:s22+$0x30] =	vst v7  }
.Ltmp14:
0x191: {  	v2 =	vld [tilespmem:s24+$0xFFFFFFF0];
	[tilespmem:s22+$0xFFFFFFD0] =	vst v5;
	v5 =	vmax.f32 v8, $0.0e+00;
	v7 =	vadd.f32 $5.000000000e+00, v3;
	v1 =	vadd.f32 v1, v1;
	(pc) =	sbr.rel @p0 .LBB2_31-.Ltmp14, $4  }
0x192: {  	v3 =	vld [tilespmem:s24+$0x0];
	v4 =	vadd.f32 v4, v4;
	[tilespmem:s22+$0xFFFFFFE0] =	vst v5;
	v5 =	vmax.f32 v6, $0.0e+00;
	v8 =	vadd.f32 $5.000000000e+00, v0  }
0x193: {  	v0 =	vld [tilespmem:s24+$0x10];
	v10 =	vadd.f32 v10, v10;
	[tilespmem:s22+$0xFFFFFFF0] =	vst v5;
	v7 =	vmax.f32 v7, $0.0e+00;
	v12 =	vadd.f32 $5.000000000e+00, v1  }
0x194: {  	v5 =	vadd.f32 v9, v9;
	v1 =	vld [tilespmem:s24+$0x20];
	v6 =	vadd.f32 $5.000000000e+00, v4;
	[tilespmem:s22+$0x0] =	vst v7;
	v9 =	vmax.f32 v8, $0.0e+00  }
0x195: {  	s24 =	sadd.s32 $0x400, s24;
	v4 =	vld [tilespmem:s21+$0xFFFFFFC0];
	v8 =	vadd.f32 v11, v11;
	v7 =	vadd.f32 $5.000000000e+00, v10;
	[tilespmem:s22+$0x10] =	vst v9;
	v9 =	vmax.f32 v12, $0.0e+00  }
0x196: {  	v5 =	vadd.f32 $5.000000000e+00, v5;
	v2 =	vadd.f32 v2, v2;
	v6 =	vmax.f32 v6, $0.0e+00;
	[tilespmem:s22+$0x20] =	vst v9  }
0x197: {  	v8 =	vadd.f32 $5.000000000e+00, v8;
	v3 =	vadd.f32 v3, v3;
	v7 =	vmax.f32 v7, $0.0e+00;
	[tilespmem:s22+$0xFFFFFFC0] =	vst v6  }
0x198: {  	v5 =	vmax.f32 v5, $0.0e+00;
	v2 =	vadd.f32 $5.000000000e+00, v2;
	v0 =	vadd.f32 v0, v0;
	[tilespmem:s21+$0x30] =	vst v7  }
0x199: {  	s20 =	sadd.s32 $0x1, s20;
	[tilespmem:s21+$0xFFFFFFD0] =	vst v5;
	v59 =	vmax.f32 v8, $0.0e+00;
	v3 =	vadd.f32 $5.000000000e+00, v3;
	v1 =	vadd.f32 v1, v1  }
0x19a: {  	p0 =	sne.s32 s20, $0x10;
	v4 =	vadd.f32 v4, v4;
	[tilespmem:s21+$0xFFFFFFE0] =	vst v59;
	v2 =	vmax.f32 v2, $0.0e+00;
	v0 =	vadd.f32 $5.000000000e+00, v0  }
.Ltmp15:
0x19b: {  	[tilespmem:s21+$0xFFFFFFF0] =	vst v2;
	v60 =	vmax.f32 v3, $0.0e+00;
	v1 =	vadd.f32 $5.000000000e+00, v1;
	(pc) =	sbr.rel @p0 .LBB2_30-.Ltmp15, $4  }
0x19c: {  	v61 =	vadd.f32 $5.000000000e+00, v4;
	[tilespmem:s21+$0x0] =	vst v60;
	v0 =	vmax.f32 v0, $0.0e+00  }
0x19d: {  	[tilespmem:s21+$0x10] =	vst v0;
	v62 =	vmax.f32 v1, $0.0e+00  }
0x19e: {  	v63 =	vmax.f32 v61, $0.0e+00;
	[tilespmem:s21+$0x20] =	vst v62  }
0x19f: {  	s19 =	sadd.s32 $0x400, s19;
	s18 =	sadd.s32 $0x1, s18;
	[tilespmem:s21+$0xFFFFFFC0] =	vst v63  }
0x1a0: {  	s18 =	simm.s32 $0x0;
	s19 =	rddreg [dreg:$0x14]  }
0x1a1: {  	[hbm4b:s19+s18] =	stream.linear.scatter [tilespmem:s18], [sflag:$0x8], $0x4000, $0x38;
	[tilespmem:$0x1C000] =	vst v63  }
0x1a2: {  	_ =	swait.ge [sflag:s1], $0x4000  }
0x1a3: {  	[sflag:s1] =	ssyncset.done $0x0  }
0x1a4: {  	s20 =	simm.s32 $0x0;
	s19 =	simm.s32 $0x0;
	[sflag:s1] =	ssyncadd.s32 $0xFFFFC000  }
.LBB2_34:
0x1a5: {  	s21 =	sshll.u32 s19, $0x2;
	s22 =	sand.u32 $0x7, s18  }
0x1a6: {  	s21 =	sand.u32 $0xFFFF8000, s21;
	s22 =	sshll.u32 s22, $0x9  }
0x1a7: {  	s21 =	sor.u32 s22, s21  }
0x1a8: {  	s21 =	sshrl.u32 s21, $0x2  }
0x1a9: {  	s22 =	sadd.s32 $0x4040, s21  }
0x1aa: {  	v0 =	vld [tilespmem:s22+$0x30]  }
0x1ab: {  	v1 =	vld [tilespmem:s22+$0xFFFFFFD0]  }
0x1ac: {  	v2 =	vld [tilespmem:s22+$0xFFFFFFE0]  }
0x1ad: {  	v3 =	vld [tilespmem:s22+$0xFFFFFFF0]  }
0x1ae: {  	v4 =	vld [tilespmem:s22+$0x0]  }
0x1af: {  	v5 =	vld [tilespmem:s22+$0x10];
	v0 =	vadd.f32 v0, v0  }
0x1b0: {  	v6 =	vld [tilespmem:s22+$0x20];
	v1 =	vadd.f32 v1, v1  }
0x1b1: {  	v7 =	vld [tilespmem:s22+$0xFFFFFFC0];
	s21 =	sadd.s32 $0x400, s22;
	v2 =	vadd.f32 v2, v2;
	v0 =	vadd.f32 $5.000000000e+00, v0  }
0x1b2: {  	v8 =	vld [tilespmem:s21+$0x30];
	v3 =	vadd.f32 v3, v3;
	v1 =	vadd.f32 $5.000000000e+00, v1  }
0x1b3: {  	v9 =	vld [tilespmem:s21+$0xFFFFFFD0];
	v4 =	vadd.f32 v4, v4;
	v10 =	vadd.f32 $5.000000000e+00, v2;
	v0 =	vmax.f32 v0, $0.0e+00  }
0x1b4: {  	v11 =	vld [tilespmem:s21+$0xFFFFFFE0];
	v5 =	vadd.f32 v5, v5;
	v12 =	vadd.f32 $5.000000000e+00, v3;
	v1 =	vmax.f32 v1, $0.0e+00;
	[tilespmem:s22+$0x30] =	vst v0  }
0x1b5: {  	v2 =	vld [tilespmem:s21+$0xFFFFFFF0];
	[tilespmem:s22+$0xFFFFFFD0] =	vst v1;
	v0 =	vmax.f32 v10, $0.0e+00;
	v1 =	vadd.f32 $5.000000000e+00, v4;
	v4 =	vadd.f32 v6, v6  }
0x1b6: {  	v3 =	vld [tilespmem:s21+$0x0];
	v6 =	vadd.f32 v7, v7;
	v7 =	vmax.f32 v12, $0.0e+00;
	v10 =	vadd.f32 $5.000000000e+00, v5;
	[tilespmem:s22+$0xFFFFFFE0] =	vst v0  }
0x1b7: {  	v63 =	vadd.f32 v8, v8;
	v0 =	vld [tilespmem:s21+$0x10];
	[tilespmem:s22+$0xFFFFFFF0] =	vst v7;
	v7 =	vmax.f32 v1, $0.0e+00;
	v13 =	vadd.f32 $5.000000000e+00, v4  }
0x1b8: {  	v5 =	vadd.f32 v9, v9;
	v1 =	vld [tilespmem:s21+$0x20];
	v6 =	vadd.f32 $5.000000000e+00, v6;
	v9 =	vmax.f32 v10, $0.0e+00;
	[tilespmem:s22+$0x0] =	vst v7  }
0x1b9: {  	s23 =	simm.s32 $0x80;
	s24 =	sadd.s32 $0x400, s21;
	v8 =	vadd.f32 v11, v11;
	v4 =	vld [tilespmem:s21+$0xFFFFFFC0];
	v7 =	vadd.f32 $5.000000000e+00, v63;
	[tilespmem:s22+$0x10] =	vst v9;
	v9 =	vmax.f32 v13, $0.0e+00  }
.LBB2_35:
0x1ba: {  	v10 =	vld [tilespmem:s24+$0x30];
	s23 =	sadd.s32 $0x80, s23;
	v5 =	vadd.f32 $5.000000000e+00, v5;
	v2 =	vadd.f32 v2, v2;
	v6 =	vmax.f32 v6, $0.0e+00;
	[tilespmem:s22+$0x20] =	vst v9  }
0x1bb: {  	v9 =	vld [tilespmem:s24+$0xFFFFFFD0];
	p0 =	slt.u32 s23, $0x380;
	v8 =	vadd.f32 $5.000000000e+00, v8;
	v3 =	vadd.f32 v3, v3;
	v7 =	vmax.f32 v7, $0.0e+00;
	[tilespmem:s22+$0xFFFFFFC0] =	vst v6;
	s22 =	smov.u32 s21;
	s21 =	smov.u32 s24  }
0x1bc: {  	v11 =	vld [tilespmem:s24+$0xFFFFFFE0];
	v5 =	vmax.f32 v5, $0.0e+00;
	v6 =	vadd.f32 $5.000000000e+00, v2;
	v0 =	vadd.f32 v0, v0;
	[tilespmem:s22+$0x30] =	vst v7  }
.Ltmp16:
0x1bd: {  	v2 =	vld [tilespmem:s24+$0xFFFFFFF0];
	[tilespmem:s22+$0xFFFFFFD0] =	vst v5;
	v5 =	vmax.f32 v8, $0.0e+00;
	v7 =	vadd.f32 $5.000000000e+00, v3;
	v1 =	vadd.f32 v1, v1;
	(pc) =	sbr.rel @p0 .LBB2_35-.Ltmp16, $4  }
0x1be: {  	v3 =	vld [tilespmem:s24+$0x0];
	v4 =	vadd.f32 v4, v4;
	[tilespmem:s22+$0xFFFFFFE0] =	vst v5;
	v5 =	vmax.f32 v6, $0.0e+00;
	v8 =	vadd.f32 $5.000000000e+00, v0  }
0x1bf: {  	v0 =	vld [tilespmem:s24+$0x10];
	v10 =	vadd.f32 v10, v10;
	[tilespmem:s22+$0xFFFFFFF0] =	vst v5;
	v7 =	vmax.f32 v7, $0.0e+00;
	v12 =	vadd.f32 $5.000000000e+00, v1  }
0x1c0: {  	v5 =	vadd.f32 v9, v9;
	v1 =	vld [tilespmem:s24+$0x20];
	v6 =	vadd.f32 $5.000000000e+00, v4;
	[tilespmem:s22+$0x0] =	vst v7;
	v9 =	vmax.f32 v8, $0.0e+00  }
0x1c1: {  	s24 =	sadd.s32 $0x400, s24;
	v4 =	vld [tilespmem:s21+$0xFFFFFFC0];
	v8 =	vadd.f32 v11, v11;
	v7 =	vadd.f32 $5.000000000e+00, v10;
	[tilespmem:s22+$0x10] =	vst v9;
	v9 =	vmax.f32 v12, $0.0e+00  }
0x1c2: {  	v5 =	vadd.f32 $5.000000000e+00, v5;
	v2 =	vadd.f32 v2, v2;
	v6 =	vmax.f32 v6, $0.0e+00;
	[tilespmem:s22+$0x20] =	vst v9  }
0x1c3: {  	v8 =	vadd.f32 $5.000000000e+00, v8;
	v3 =	vadd.f32 v3, v3;
	v7 =	vmax.f32 v7, $0.0e+00;
	[tilespmem:s22+$0xFFFFFFC0] =	vst v6  }
0x1c4: {  	v5 =	vmax.f32 v5, $0.0e+00;
	v2 =	vadd.f32 $5.000000000e+00, v2;
	v0 =	vadd.f32 v0, v0;
	[tilespmem:s21+$0x30] =	vst v7  }
0x1c5: {  	s20 =	sadd.s32 $0x1, s20;
	[tilespmem:s21+$0xFFFFFFD0] =	vst v5;
	v59 =	vmax.f32 v8, $0.0e+00;
	v3 =	vadd.f32 $5.000000000e+00, v3;
	v1 =	vadd.f32 v1, v1  }
0x1c6: {  	p0 =	sne.s32 s20, $0x10;
	v4 =	vadd.f32 v4, v4;
	[tilespmem:s21+$0xFFFFFFE0] =	vst v59;
	v2 =	vmax.f32 v2, $0.0e+00;
	v0 =	vadd.f32 $5.000000000e+00, v0  }
.Ltmp17:
0x1c7: {  	[tilespmem:s21+$0xFFFFFFF0] =	vst v2;
	v60 =	vmax.f32 v3, $0.0e+00;
	v1 =	vadd.f32 $5.000000000e+00, v1;
	(pc) =	sbr.rel @p0 .LBB2_34-.Ltmp17, $4  }
0x1c8: {  	v61 =	vadd.f32 $5.000000000e+00, v4;
	[tilespmem:s21+$0x0] =	vst v60;
	v0 =	vmax.f32 v0, $0.0e+00  }
0x1c9: {  	[tilespmem:s21+$0x10] =	vst v0;
	v62 =	vmax.f32 v1, $0.0e+00  }
0x1ca: {  	v63 =	vmax.f32 v61, $0.0e+00;
	[tilespmem:s21+$0x20] =	vst v62  }
0x1cb: {  	s19 =	sadd.s32 $0x400, s19;
	s18 =	sadd.s32 $0x1, s18;
	[tilespmem:s21+$0xFFFFFFC0] =	vst v63  }
0x1cc: {  	s18 =	simm.s32 $0x0;
	s19 =	rddreg [dreg:$0x15]  }
0x1cd: {  	[hbm4b:s19+s18] =	stream.linear.scatter [tilespmem:s29], [sflag:$0x9], $0x4000, $0x38;
	[tilespmem:$0x1C000] =	vst v63  }
0x1ce: {  	_ =	swait.ge [sflag:s3], $0x4000  }
0x1cf: {  	[sflag:s3] =	ssyncset.done $0x0  }
0x1d0: {  	s20 =	simm.s32 $0x0;
	s19 =	simm.s32 $0x0;
	[sflag:s3] =	ssyncadd.s32 $0xFFFFC000  }
.LBB2_38:
0x1d1: {  	s21 =	sshll.u32 s19, $0x2;
	s22 =	sand.u32 $0x7, s18  }
0x1d2: {  	s21 =	sand.u32 $0xFFFF8000, s21;
	s22 =	sshll.u32 s22, $0x9  }
0x1d3: {  	s21 =	sor.u32 s22, s21  }
0x1d4: {  	s21 =	sshrl.u32 s21, $0x2  }
0x1d5: {  	s22 =	sadd.s32 $0x8040, s21  }
0x1d6: {  	v0 =	vld [tilespmem:s22+$0x30]  }
0x1d7: {  	v1 =	vld [tilespmem:s22+$0xFFFFFFD0]  }
0x1d8: {  	v2 =	vld [tilespmem:s22+$0xFFFFFFE0]  }
0x1d9: {  	v3 =	vld [tilespmem:s22+$0xFFFFFFF0]  }
0x1da: {  	v4 =	vld [tilespmem:s22+$0x0]  }
0x1db: {  	v5 =	vld [tilespmem:s22+$0x10];
	v0 =	vadd.f32 v0, v0  }
0x1dc: {  	v6 =	vld [tilespmem:s22+$0x20];
	v1 =	vadd.f32 v1, v1  }
0x1dd: {  	v7 =	vld [tilespmem:s22+$0xFFFFFFC0];
	s21 =	sadd.s32 $0x400, s22;
	v2 =	vadd.f32 v2, v2;
	v0 =	vadd.f32 $5.000000000e+00, v0  }
0x1de: {  	v8 =	vld [tilespmem:s21+$0x30];
	v3 =	vadd.f32 v3, v3;
	v1 =	vadd.f32 $5.000000000e+00, v1  }
0x1df: {  	v9 =	vld [tilespmem:s21+$0xFFFFFFD0];
	v4 =	vadd.f32 v4, v4;
	v10 =	vadd.f32 $5.000000000e+00, v2;
	v0 =	vmax.f32 v0, $0.0e+00  }
0x1e0: {  	v11 =	vld [tilespmem:s21+$0xFFFFFFE0];
	v5 =	vadd.f32 v5, v5;
	v12 =	vadd.f32 $5.000000000e+00, v3;
	v1 =	vmax.f32 v1, $0.0e+00;
	[tilespmem:s22+$0x30] =	vst v0  }
0x1e1: {  	v2 =	vld [tilespmem:s21+$0xFFFFFFF0];
	[tilespmem:s22+$0xFFFFFFD0] =	vst v1;
	v0 =	vmax.f32 v10, $0.0e+00;
	v1 =	vadd.f32 $5.000000000e+00, v4;
	v4 =	vadd.f32 v6, v6  }
0x1e2: {  	v3 =	vld [tilespmem:s21+$0x0];
	v6 =	vadd.f32 v7, v7;
	v7 =	vmax.f32 v12, $0.0e+00;
	v10 =	vadd.f32 $5.000000000e+00, v5;
	[tilespmem:s22+$0xFFFFFFE0] =	vst v0  }
0x1e3: {  	v63 =	vadd.f32 v8, v8;
	v0 =	vld [tilespmem:s21+$0x10];
	[tilespmem:s22+$0xFFFFFFF0] =	vst v7;
	v7 =	vmax.f32 v1, $0.0e+00;
	v13 =	vadd.f32 $5.000000000e+00, v4  }
0x1e4: {  	v5 =	vadd.f32 v9, v9;
	v1 =	vld [tilespmem:s21+$0x20];
	v6 =	vadd.f32 $5.000000000e+00, v6;
	v9 =	vmax.f32 v10, $0.0e+00;
	[tilespmem:s22+$0x0] =	vst v7  }
0x1e5: {  	s23 =	simm.s32 $0x80;
	s24 =	sadd.s32 $0x400, s21;
	v8 =	vadd.f32 v11, v11;
	v4 =	vld [tilespmem:s21+$0xFFFFFFC0];
	v7 =	vadd.f32 $5.000000000e+00, v63;
	[tilespmem:s22+$0x10] =	vst v9;
	v9 =	vmax.f32 v13, $0.0e+00  }
.LBB2_39:
0x1e6: {  	v10 =	vld [tilespmem:s24+$0x30];
	s23 =	sadd.s32 $0x80, s23;
	v5 =	vadd.f32 $5.000000000e+00, v5;
	v2 =	vadd.f32 v2, v2;
	v6 =	vmax.f32 v6, $0.0e+00;
	[tilespmem:s22+$0x20] =	vst v9  }
0x1e7: {  	v9 =	vld [tilespmem:s24+$0xFFFFFFD0];
	p0 =	slt.u32 s23, $0x380;
	v8 =	vadd.f32 $5.000000000e+00, v8;
	v3 =	vadd.f32 v3, v3;
	v7 =	vmax.f32 v7, $0.0e+00;
	[tilespmem:s22+$0xFFFFFFC0] =	vst v6;
	s22 =	smov.u32 s21;
	s21 =	smov.u32 s24  }
0x1e8: {  	v11 =	vld [tilespmem:s24+$0xFFFFFFE0];
	v5 =	vmax.f32 v5, $0.0e+00;
	v6 =	vadd.f32 $5.000000000e+00, v2;
	v0 =	vadd.f32 v0, v0;
	[tilespmem:s22+$0x30] =	vst v7  }
.Ltmp18:
0x1e9: {  	v2 =	vld [tilespmem:s24+$0xFFFFFFF0];
	[tilespmem:s22+$0xFFFFFFD0] =	vst v5;
	v5 =	vmax.f32 v8, $0.0e+00;
	v7 =	vadd.f32 $5.000000000e+00, v3;
	v1 =	vadd.f32 v1, v1;
	(pc) =	sbr.rel @p0 .LBB2_39-.Ltmp18, $4  }
0x1ea: {  	v3 =	vld [tilespmem:s24+$0x0];
	v4 =	vadd.f32 v4, v4;
	[tilespmem:s22+$0xFFFFFFE0] =	vst v5;
	v5 =	vmax.f32 v6, $0.0e+00;
	v8 =	vadd.f32 $5.000000000e+00, v0  }
0x1eb: {  	v0 =	vld [tilespmem:s24+$0x10];
	v10 =	vadd.f32 v10, v10;
	[tilespmem:s22+$0xFFFFFFF0] =	vst v5;
	v7 =	vmax.f32 v7, $0.0e+00;
	v12 =	vadd.f32 $5.000000000e+00, v1  }
0x1ec: {  	v5 =	vadd.f32 v9, v9;
	v1 =	vld [tilespmem:s24+$0x20];
	v6 =	vadd.f32 $5.000000000e+00, v4;
	[tilespmem:s22+$0x0] =	vst v7;
	v9 =	vmax.f32 v8, $0.0e+00  }
0x1ed: {  	s24 =	sadd.s32 $0x400, s24;
	v4 =	vld [tilespmem:s21+$0xFFFFFFC0];
	v8 =	vadd.f32 v11, v11;
	v7 =	vadd.f32 $5.000000000e+00, v10;
	[tilespmem:s22+$0x10] =	vst v9;
	v9 =	vmax.f32 v12, $0.0e+00  }
0x1ee: {  	v5 =	vadd.f32 $5.000000000e+00, v5;
	v2 =	vadd.f32 v2, v2;
	v6 =	vmax.f32 v6, $0.0e+00;
	[tilespmem:s22+$0x20] =	vst v9  }
0x1ef: {  	v8 =	vadd.f32 $5.000000000e+00, v8;
	v3 =	vadd.f32 v3, v3;
	v7 =	vmax.f32 v7, $0.0e+00;
	[tilespmem:s22+$0xFFFFFFC0] =	vst v6  }
0x1f0: {  	v5 =	vmax.f32 v5, $0.0e+00;
	v2 =	vadd.f32 $5.000000000e+00, v2;
	v0 =	vadd.f32 v0, v0;
	[tilespmem:s21+$0x30] =	vst v7  }
0x1f1: {  	s20 =	sadd.s32 $0x1, s20;
	[tilespmem:s21+$0xFFFFFFD0] =	vst v5;
	v59 =	vmax.f32 v8, $0.0e+00;
	v3 =	vadd.f32 $5.000000000e+00, v3;
	v1 =	vadd.f32 v1, v1  }
0x1f2: {  	p0 =	sne.s32 s20, $0x10;
	v4 =	vadd.f32 v4, v4;
	[tilespmem:s21+$0xFFFFFFE0] =	vst v59;
	v2 =	vmax.f32 v2, $0.0e+00;
	v0 =	vadd.f32 $5.000000000e+00, v0  }
.Ltmp19:
0x1f3: {  	[tilespmem:s21+$0xFFFFFFF0] =	vst v2;
	v60 =	vmax.f32 v3, $0.0e+00;
	v1 =	vadd.f32 $5.000000000e+00, v1;
	(pc) =	sbr.rel @p0 .LBB2_38-.Ltmp19, $4  }
0x1f4: {  	v61 =	vadd.f32 $5.000000000e+00, v4;
	[tilespmem:s21+$0x0] =	vst v60;
	v0 =	vmax.f32 v0, $0.0e+00  }
0x1f5: {  	[tilespmem:s21+$0x10] =	vst v0;
	v62 =	vmax.f32 v1, $0.0e+00  }
0x1f6: {  	v63 =	vmax.f32 v61, $0.0e+00;
	[tilespmem:s21+$0x20] =	vst v62  }
0x1f7: {  	s19 =	sadd.s32 $0x400, s19;
	s18 =	sadd.s32 $0x1, s18;
	[tilespmem:s21+$0xFFFFFFC0] =	vst v63  }
0x1f8: {  	s18 =	simm.s32 $0x0;
	s19 =	rddreg [dreg:$0x16]  }
0x1f9: {  	[hbm4b:s19+s18] =	stream.linear.scatter [tilespmem:s30], [sflag:$0xA], $0x4000, $0x38;
	[tilespmem:$0x1C000] =	vst v63  }
0x1fa: {  	_ =	swait.ge [sflag:s8], $0x4000  }
0x1fb: {  	[sflag:s8] =	ssyncset.done $0x0  }
0x1fc: {  	s20 =	simm.s32 $0x0;
	s19 =	simm.s32 $0x0;
	[sflag:s8] =	ssyncadd.s32 $0xFFFFC000  }
.LBB2_42:
0x1fd: {  	s21 =	sshll.u32 s19, $0x2;
	s22 =	sand.u32 $0x7, s18  }
0x1fe: {  	s21 =	sand.u32 $0xFFFF8000, s21;
	s22 =	sshll.u32 s22, $0x9  }
0x1ff: {  	s21 =	sor.u32 s22, s21  }
0x200: {  	s21 =	sshrl.u32 s21, $0x2  }
0x201: {  	s22 =	sadd.s32 $0xC040, s21  }
0x202: {  	v0 =	vld [tilespmem:s22+$0x30]  }
0x203: {  	v1 =	vld [tilespmem:s22+$0xFFFFFFD0]  }
0x204: {  	v2 =	vld [tilespmem:s22+$0xFFFFFFE0]  }
0x205: {  	v3 =	vld [tilespmem:s22+$0xFFFFFFF0]  }
0x206: {  	v4 =	vld [tilespmem:s22+$0x0]  }
0x207: {  	v5 =	vld [tilespmem:s22+$0x10];
	v0 =	vadd.f32 v0, v0  }
0x208: {  	v6 =	vld [tilespmem:s22+$0x20];
	v1 =	vadd.f32 v1, v1  }
0x209: {  	v7 =	vld [tilespmem:s22+$0xFFFFFFC0];
	s21 =	sadd.s32 $0x400, s22;
	v2 =	vadd.f32 v2, v2;
	v0 =	vadd.f32 $5.000000000e+00, v0  }
0x20a: {  	v8 =	vld [tilespmem:s21+$0x30];
	v3 =	vadd.f32 v3, v3;
	v1 =	vadd.f32 $5.000000000e+00, v1  }
0x20b: {  	v9 =	vld [tilespmem:s21+$0xFFFFFFD0];
	v4 =	vadd.f32 v4, v4;
	v10 =	vadd.f32 $5.000000000e+00, v2;
	v0 =	vmax.f32 v0, $0.0e+00  }
0x20c: {  	v11 =	vld [tilespmem:s21+$0xFFFFFFE0];
	v5 =	vadd.f32 v5, v5;
	v12 =	vadd.f32 $5.000000000e+00, v3;
	v1 =	vmax.f32 v1, $0.0e+00;
	[tilespmem:s22+$0x30] =	vst v0  }
0x20d: {  	v2 =	vld [tilespmem:s21+$0xFFFFFFF0];
	[tilespmem:s22+$0xFFFFFFD0] =	vst v1;
	v0 =	vmax.f32 v10, $0.0e+00;
	v1 =	vadd.f32 $5.000000000e+00, v4;
	v4 =	vadd.f32 v6, v6  }
0x20e: {  	v3 =	vld [tilespmem:s21+$0x0];
	v6 =	vadd.f32 v7, v7;
	v7 =	vmax.f32 v12, $0.0e+00;
	v10 =	vadd.f32 $5.000000000e+00, v5;
	[tilespmem:s22+$0xFFFFFFE0] =	vst v0  }
0x20f: {  	v63 =	vadd.f32 v8, v8;
	v0 =	vld [tilespmem:s21+$0x10];
	[tilespmem:s22+$0xFFFFFFF0] =	vst v7;
	v7 =	vmax.f32 v1, $0.0e+00;
	v13 =	vadd.f32 $5.000000000e+00, v4  }
0x210: {  	v5 =	vadd.f32 v9, v9;
	v1 =	vld [tilespmem:s21+$0x20];
	v6 =	vadd.f32 $5.000000000e+00, v6;
	v9 =	vmax.f32 v10, $0.0e+00;
	[tilespmem:s22+$0x0] =	vst v7  }
0x211: {  	s23 =	simm.s32 $0x80;
	s24 =	sadd.s32 $0x400, s21;
	v8 =	vadd.f32 v11, v11;
	v4 =	vld [tilespmem:s21+$0xFFFFFFC0];
	v7 =	vadd.f32 $5.000000000e+00, v63;
	[tilespmem:s22+$0x10] =	vst v9;
	v9 =	vmax.f32 v13, $0.0e+00  }
.LBB2_43:
0x212: {  	v10 =	vld [tilespmem:s24+$0x30];
	s23 =	sadd.s32 $0x80, s23;
	v5 =	vadd.f32 $5.000000000e+00, v5;
	v2 =	vadd.f32 v2, v2;
	v6 =	vmax.f32 v6, $0.0e+00;
	[tilespmem:s22+$0x20] =	vst v9  }
0x213: {  	v9 =	vld [tilespmem:s24+$0xFFFFFFD0];
	p0 =	slt.u32 s23, $0x380;
	v8 =	vadd.f32 $5.000000000e+00, v8;
	v3 =	vadd.f32 v3, v3;
	v7 =	vmax.f32 v7, $0.0e+00;
	[tilespmem:s22+$0xFFFFFFC0] =	vst v6;
	s22 =	smov.u32 s21;
	s21 =	smov.u32 s24  }
0x214: {  	v11 =	vld [tilespmem:s24+$0xFFFFFFE0];
	v5 =	vmax.f32 v5, $0.0e+00;
	v6 =	vadd.f32 $5.000000000e+00, v2;
	v0 =	vadd.f32 v0, v0;
	[tilespmem:s22+$0x30] =	vst v7  }
.Ltmp20:
0x215: {  	v2 =	vld [tilespmem:s24+$0xFFFFFFF0];
	[tilespmem:s22+$0xFFFFFFD0] =	vst v5;
	v5 =	vmax.f32 v8, $0.0e+00;
	v7 =	vadd.f32 $5.000000000e+00, v3;
	v1 =	vadd.f32 v1, v1;
	(pc) =	sbr.rel @p0 .LBB2_43-.Ltmp20, $4  }
0x216: {  	v3 =	vld [tilespmem:s24+$0x0];
	v4 =	vadd.f32 v4, v4;
	[tilespmem:s22+$0xFFFFFFE0] =	vst v5;
	v5 =	vmax.f32 v6, $0.0e+00;
	v8 =	vadd.f32 $5.000000000e+00, v0  }
0x217: {  	v0 =	vld [tilespmem:s24+$0x10];
	v10 =	vadd.f32 v10, v10;
	[tilespmem:s22+$0xFFFFFFF0] =	vst v5;
	v7 =	vmax.f32 v7, $0.0e+00;
	v12 =	vadd.f32 $5.000000000e+00, v1  }
0x218: {  	v5 =	vadd.f32 v9, v9;
	v1 =	vld [tilespmem:s24+$0x20];
	v6 =	vadd.f32 $5.000000000e+00, v4;
	[tilespmem:s22+$0x0] =	vst v7;
	v9 =	vmax.f32 v8, $0.0e+00  }
0x219: {  	s24 =	sadd.s32 $0x400, s24;
	v4 =	vld [tilespmem:s21+$0xFFFFFFC0];
	v8 =	vadd.f32 v11, v11;
	v7 =	vadd.f32 $5.000000000e+00, v10;
	[tilespmem:s22+$0x10] =	vst v9;
	v9 =	vmax.f32 v12, $0.0e+00  }
0x21a: {  	v5 =	vadd.f32 $5.000000000e+00, v5;
	v2 =	vadd.f32 v2, v2;
	v6 =	vmax.f32 v6, $0.0e+00;
	[tilespmem:s22+$0x20] =	vst v9  }
0x21b: {  	v8 =	vadd.f32 $5.000000000e+00, v8;
	v3 =	vadd.f32 v3, v3;
	v7 =	vmax.f32 v7, $0.0e+00;
	[tilespmem:s22+$0xFFFFFFC0] =	vst v6  }
0x21c: {  	v5 =	vmax.f32 v5, $0.0e+00;
	v2 =	vadd.f32 $5.000000000e+00, v2;
	v0 =	vadd.f32 v0, v0;
	[tilespmem:s21+$0x30] =	vst v7  }
0x21d: {  	s20 =	sadd.s32 $0x1, s20;
	[tilespmem:s21+$0xFFFFFFD0] =	vst v5;
	v59 =	vmax.f32 v8, $0.0e+00;
	v3 =	vadd.f32 $5.000000000e+00, v3;
	v1 =	vadd.f32 v1, v1  }
0x21e: {  	p0 =	sne.s32 s20, $0x10;
	v4 =	vadd.f32 v4, v4;
	[tilespmem:s21+$0xFFFFFFE0] =	vst v59;
	v2 =	vmax.f32 v2, $0.0e+00;
	v0 =	vadd.f32 $5.000000000e+00, v0  }
.Ltmp21:
0x21f: {  	[tilespmem:s21+$0xFFFFFFF0] =	vst v2;
	v60 =	vmax.f32 v3, $0.0e+00;
	v1 =	vadd.f32 $5.000000000e+00, v1;
	(pc) =	sbr.rel @p0 .LBB2_42-.Ltmp21, $4  }
0x220: {  	v61 =	vadd.f32 $5.000000000e+00, v4;
	[tilespmem:s21+$0x0] =	vst v60;
	v0 =	vmax.f32 v0, $0.0e+00  }
0x221: {  	[tilespmem:s21+$0x10] =	vst v0;
	v62 =	vmax.f32 v1, $0.0e+00  }
0x222: {  	v63 =	vmax.f32 v61, $0.0e+00;
	[tilespmem:s21+$0x20] =	vst v62  }
0x223: {  	s19 =	sadd.s32 $0x400, s19;
	s18 =	sadd.s32 $0x1, s18;
	[tilespmem:s21+$0xFFFFFFC0] =	vst v63  }
0x224: {  	s18 =	simm.s32 $0x0;
	s19 =	rddreg [dreg:$0x17]  }
0x225: {  	[hbm4b:s19+s18] =	stream.linear.scatter [tilespmem:s31], [sflag:$0xB], $0x4000, $0x38;
	[tilespmem:$0x1C000] =	vst v63  }
0x226: {  	_ =	swait.ge [sflag:s10], $0x4000  }
0x227: {  	[sflag:s10] =	ssyncset.done $0x0  }
0x228: {  	s20 =	simm.s32 $0x0;
	s19 =	simm.s32 $0x0;
	[sflag:s10] =	ssyncadd.s32 $0xFFFFC000  }
.LBB2_46:
0x229: {  	s21 =	sshll.u32 s19, $0x2;
	s22 =	sand.u32 $0x7, s18  }
0x22a: {  	s21 =	sand.u32 $0xFFFF8000, s21;
	s22 =	sshll.u32 s22, $0x9  }
0x22b: {  	s21 =	sor.u32 s22, s21  }
0x22c: {  	s21 =	sshrl.u32 s21, $0x2  }
0x22d: {  	s22 =	sadd.s32 $0x10040, s21  }
0x22e: {  	v0 =	vld [tilespmem:s22+$0x30]  }
0x22f: {  	v1 =	vld [tilespmem:s22+$0xFFFFFFD0]  }
0x230: {  	v2 =	vld [tilespmem:s22+$0xFFFFFFE0]  }
0x231: {  	v3 =	vld [tilespmem:s22+$0xFFFFFFF0]  }
0x232: {  	v4 =	vld [tilespmem:s22+$0x0]  }
0x233: {  	v5 =	vld [tilespmem:s22+$0x10];
	v0 =	vadd.f32 v0, v0  }
0x234: {  	v6 =	vld [tilespmem:s22+$0x20];
	v1 =	vadd.f32 v1, v1  }
0x235: {  	v7 =	vld [tilespmem:s22+$0xFFFFFFC0];
	s21 =	sadd.s32 $0x400, s22;
	v2 =	vadd.f32 v2, v2;
	v0 =	vadd.f32 $5.000000000e+00, v0  }
0x236: {  	v8 =	vld [tilespmem:s21+$0x30];
	v3 =	vadd.f32 v3, v3;
	v1 =	vadd.f32 $5.000000000e+00, v1  }
0x237: {  	v9 =	vld [tilespmem:s21+$0xFFFFFFD0];
	v4 =	vadd.f32 v4, v4;
	v10 =	vadd.f32 $5.000000000e+00, v2;
	v0 =	vmax.f32 v0, $0.0e+00  }
0x238: {  	v11 =	vld [tilespmem:s21+$0xFFFFFFE0];
	v5 =	vadd.f32 v5, v5;
	v12 =	vadd.f32 $5.000000000e+00, v3;
	v1 =	vmax.f32 v1, $0.0e+00;
	[tilespmem:s22+$0x30] =	vst v0  }
0x239: {  	v2 =	vld [tilespmem:s21+$0xFFFFFFF0];
	[tilespmem:s22+$0xFFFFFFD0] =	vst v1;
	v0 =	vmax.f32 v10, $0.0e+00;
	v1 =	vadd.f32 $5.000000000e+00, v4;
	v4 =	vadd.f32 v6, v6  }
0x23a: {  	v3 =	vld [tilespmem:s21+$0x0];
	v6 =	vadd.f32 v7, v7;
	v7 =	vmax.f32 v12, $0.0e+00;
	v10 =	vadd.f32 $5.000000000e+00, v5;
	[tilespmem:s22+$0xFFFFFFE0] =	vst v0  }
0x23b: {  	v63 =	vadd.f32 v8, v8;
	v0 =	vld [tilespmem:s21+$0x10];
	[tilespmem:s22+$0xFFFFFFF0] =	vst v7;
	v7 =	vmax.f32 v1, $0.0e+00;
	v13 =	vadd.f32 $5.000000000e+00, v4  }
0x23c: {  	v5 =	vadd.f32 v9, v9;
	v1 =	vld [tilespmem:s21+$0x20];
	v6 =	vadd.f32 $5.000000000e+00, v6;
	v9 =	vmax.f32 v10, $0.0e+00;
	[tilespmem:s22+$0x0] =	vst v7  }
0x23d: {  	s23 =	simm.s32 $0x80;
	s24 =	sadd.s32 $0x400, s21;
	v8 =	vadd.f32 v11, v11;
	v4 =	vld [tilespmem:s21+$0xFFFFFFC0];
	v7 =	vadd.f32 $5.000000000e+00, v63;
	[tilespmem:s22+$0x10] =	vst v9;
	v9 =	vmax.f32 v13, $0.0e+00  }
.LBB2_47:
0x23e: {  	v10 =	vld [tilespmem:s24+$0x30];
	s23 =	sadd.s32 $0x80, s23;
	v5 =	vadd.f32 $5.000000000e+00, v5;
	v2 =	vadd.f32 v2, v2;
	v6 =	vmax.f32 v6, $0.0e+00;
	[tilespmem:s22+$0x20] =	vst v9  }
0x23f: {  	v9 =	vld [tilespmem:s24+$0xFFFFFFD0];
	p0 =	slt.u32 s23, $0x380;
	v8 =	vadd.f32 $5.000000000e+00, v8;
	v3 =	vadd.f32 v3, v3;
	v7 =	vmax.f32 v7, $0.0e+00;
	[tilespmem:s22+$0xFFFFFFC0] =	vst v6;
	s22 =	smov.u32 s21;
	s21 =	smov.u32 s24  }
0x240: {  	v11 =	vld [tilespmem:s24+$0xFFFFFFE0];
	v5 =	vmax.f32 v5, $0.0e+00;
	v6 =	vadd.f32 $5.000000000e+00, v2;
	v0 =	vadd.f32 v0, v0;
	[tilespmem:s22+$0x30] =	vst v7  }
.Ltmp22:
0x241: {  	v2 =	vld [tilespmem:s24+$0xFFFFFFF0];
	[tilespmem:s22+$0xFFFFFFD0] =	vst v5;
	v5 =	vmax.f32 v8, $0.0e+00;
	v7 =	vadd.f32 $5.000000000e+00, v3;
	v1 =	vadd.f32 v1, v1;
	(pc) =	sbr.rel @p0 .LBB2_47-.Ltmp22, $4  }
0x242: {  	v3 =	vld [tilespmem:s24+$0x0];
	v4 =	vadd.f32 v4, v4;
	[tilespmem:s22+$0xFFFFFFE0] =	vst v5;
	v5 =	vmax.f32 v6, $0.0e+00;
	v8 =	vadd.f32 $5.000000000e+00, v0  }
0x243: {  	v0 =	vld [tilespmem:s24+$0x10];
	v10 =	vadd.f32 v10, v10;
	[tilespmem:s22+$0xFFFFFFF0] =	vst v5;
	v7 =	vmax.f32 v7, $0.0e+00;
	v12 =	vadd.f32 $5.000000000e+00, v1  }
0x244: {  	v5 =	vadd.f32 v9, v9;
	v1 =	vld [tilespmem:s24+$0x20];
	v6 =	vadd.f32 $5.000000000e+00, v4;
	[tilespmem:s22+$0x0] =	vst v7;
	v9 =	vmax.f32 v8, $0.0e+00  }
0x245: {  	s24 =	sadd.s32 $0x400, s24;
	v4 =	vld [tilespmem:s21+$0xFFFFFFC0];
	v8 =	vadd.f32 v11, v11;
	v7 =	vadd.f32 $5.000000000e+00, v10;
	[tilespmem:s22+$0x10] =	vst v9;
	v9 =	vmax.f32 v12, $0.0e+00  }
0x246: {  	v5 =	vadd.f32 $5.000000000e+00, v5;
	v2 =	vadd.f32 v2, v2;
	v6 =	vmax.f32 v6, $0.0e+00;
	[tilespmem:s22+$0x20] =	vst v9  }
0x247: {  	v8 =	vadd.f32 $5.000000000e+00, v8;
	v3 =	vadd.f32 v3, v3;
	v7 =	vmax.f32 v7, $0.0e+00;
	[tilespmem:s22+$0xFFFFFFC0] =	vst v6  }
0x248: {  	v5 =	vmax.f32 v5, $0.0e+00;
	v2 =	vadd.f32 $5.000000000e+00, v2;
	v0 =	vadd.f32 v0, v0;
	[tilespmem:s21+$0x30] =	vst v7  }
0x249: {  	s20 =	sadd.s32 $0x1, s20;
	[tilespmem:s21+$0xFFFFFFD0] =	vst v5;
	v59 =	vmax.f32 v8, $0.0e+00;
	v3 =	vadd.f32 $5.000000000e+00, v3;
	v1 =	vadd.f32 v1, v1  }
0x24a: {  	p0 =	sne.s32 s20, $0x10;
	v4 =	vadd.f32 v4, v4;
	[tilespmem:s21+$0xFFFFFFE0] =	vst v59;
	v2 =	vmax.f32 v2, $0.0e+00;
	v0 =	vadd.f32 $5.000000000e+00, v0  }
.Ltmp23:
0x24b: {  	[tilespmem:s21+$0xFFFFFFF0] =	vst v2;
	v60 =	vmax.f32 v3, $0.0e+00;
	v1 =	vadd.f32 $5.000000000e+00, v1;
	(pc) =	sbr.rel @p0 .LBB2_46-.Ltmp23, $4  }
0x24c: {  	v61 =	vadd.f32 $5.000000000e+00, v4;
	[tilespmem:s21+$0x0] =	vst v60;
	v0 =	vmax.f32 v0, $0.0e+00  }
0x24d: {  	[tilespmem:s21+$0x10] =	vst v0;
	v62 =	vmax.f32 v1, $0.0e+00  }
0x24e: {  	v63 =	vmax.f32 v61, $0.0e+00;
	[tilespmem:s21+$0x20] =	vst v62  }
0x24f: {  	s19 =	sadd.s32 $0x400, s19;
	s18 =	sadd.s32 $0x1, s18;
	[tilespmem:s21+$0xFFFFFFC0] =	vst v63  }
0x250: {  	s18 =	rddreg [dreg:$0x18]  }
0x251: {  	[hbm4b:s18+s2] =	stream.linear.scatter [tilespmem:s0], [sflag:$0xC], $0x4000, $0x38;
	[tilespmem:$0x1C000] =	vst v63  }
0x252: {  	_ =	swait.ge [sflag:s15], $0x4000  }
0x253: {  	[sflag:s15] =	ssyncset.done $0x0  }
0x254: {  	[sflag:s15] =	ssyncadd.s32 $0xFFFFC000  }
0x255: {  	_ =	swait.ge [sflag:s16], $0x4000  }
0x256: {  	[sflag:s16] =	ssyncset.done $0x0  }
0x257: {  	[sflag:s16] =	ssyncadd.s32 $0xFFFFC000  }
0x258: {  	_ =	swait.ge [sflag:s5], $0x4000  }
0x259: {  	[sflag:s5] =	ssyncset.done $0x0  }
0x25a: {  	[sflag:s5] =	ssyncadd.s32 $0xFFFFC000  }
0x25b: {  	_ =	swait.ge [sflag:s6], $0x4000  }
0x25c: {  	[sflag:s6] =	ssyncset.done $0x0  }
0x25d: {  	[sflag:s6] =	ssyncadd.s32 $0xFFFFC000  }
0x25e: {  	_ =	swait.ge [sflag:s7], $0x4000  }
0x25f: {  	[sflag:s7] =	ssyncset.done $0x0  }
0x260: {  	s17 =	sadd.s32 $0x1, s17;
	[sflag:s7] =	ssyncadd.s32 $0xFFFFC000  }
0x261: {  	p0 =	sne.s32 s17, s25;
	_ =	swait.ge [sflag:s9], $0x4000  }
.Ltmp24:
0x262: {  	[sflag:s9] =	ssyncset.done $0x0;
	(pc) =	sbr.rel @p0 .LBB2_1-.Ltmp24, $4  }
0x263: {  	[sflag:s9] =	ssyncadd.s32 $0xFFFFC000  }
0x264: {  	_ =	swait.ge [sflag:s11], $0x4000  }
0x265: {  	[sflag:s11] =	ssyncset.done $0x0  }
0x266: {  	[sflag:s11] =	ssyncadd.s32 $0xFFFFC000  }
0x267: {  	_ =	sfence.sel $0x180000  }
0x268: {  	[bflag:$0x0] =	sbarrier.arrive $0xFFFF  }
0x269: {  	_ =	strace $0x90000047  }
0x26a: {  	s0 =	stileid.u32;
	[bflag:$0x2] =	sbarrier.arrive $0xFFFF  }
0x26b: {  	p0 =	sne.s32 s0, $0x0;
	s0 =	rddreg [dreg:$0x3]  }
0x26c: {  	s0 =	sadd.s32 @!p0 $0x100000, s0  }
0x26d: {  	[sflag:s0] =	ssyncadd.tile.s32 @!p0 $0x1;
	_ =	shalt  }
.Lfunc_end2:
_tile_overlayer_lowered:
.L_overlay_start_2:
0x26e: {  	(tag) =	ssettag $0x2  }
0x26f: {  	s0 =	rddreg [dreg:$0x0];
	s2 =	stileid.u32  }
0x270: {  	s1 =	rddreg [dreg:$0x1];
	p0 =	sne.s32 s2, $0x0  }
0x271: {  	s3 =	rddreg [dreg:$0x2];
	[bflag:$0x3] =	sbarrier.arrive $0xFFFF;
	s2 =	simm.s32 @!p0 $0x1C0F  }
0x272: {  	[timem:s3], [sflag:s2] =	dma.local @!p0 [hbm:s0], s1  }
0x273: {  	s0 =	simm.s32 @!p0 $0xF  }
0x274: {  	_ =	swait.ge @!p0 [sflag:s0], s1  }
0x275: {  	s1 =	ssub.s32 @!p0 $0x0, s1;
	[sflag:s0] =	ssyncset.done @!p0 $0x0  }
0x276: {  	[sflag:s0] =	ssyncadd.s32 @!p0 s1  }
0x277: {  	[bflag:$0x3] =	sbarrier.arrive $0xFFFF  }
0x278: {  	_ =	shalt  }

</sc_bundles>
